<compile_context>
chip_gen: v7x
topology: tpu7x:2x2x1
jax: 0.10.2.dev20260603
libtpu: 0.0.44.dev20260713+nightly
codegen_flags: <defaults>
</compile_context>

<pallas_src>
import functools

import jax
import jax.numpy as jnp
from jax import lax
from jax.experimental import pallas as pl
from jax.experimental.pallas import tpu as pltpu
from jax.experimental.pallas import tpu_sc as plsc

_NSUB = 16
_DW = 8
_ZR = 40


def _sc_aggregate(table, dst3, src3, zrows, zrows8, ones_hbm,
                  n_nodes, h, chunks, k):
    nblk = n_nodes // _ZR
    zsteps = (nblk + _NSUB - 1) // _NSUB

    mesh = plsc.VectorSubcoreMesh(core_axis_name="c", subcore_axis_name="s")

    @functools.partial(
        pl.kernel,
        out_type=(
            jax.ShapeDtypeStruct((2 * n_nodes, h), jnp.float32),
            jax.ShapeDtypeStruct((n_nodes, _DW), jnp.float32),
        ),
        mesh=mesh,
        compiler_params=pltpu.CompilerParams(use_tc_tiling_on_sc=False),
        scratch_types=[
            pltpu.VMEM((chunks, k), jnp.int32),
            pltpu.VMEM((chunks, k), jnp.int32),
            pltpu.VMEM((k, h), jnp.float32),
            pltpu.VMEM((k, h), jnp.float32),
            pltpu.VMEM((k, _DW), jnp.float32),
            pltpu.VMEM_SHARED((n_nodes + 8, h), jnp.float32),
            pltpu.VMEM_SHARED((n_nodes + 8, _DW), jnp.float32),
            pltpu.SemaphoreType.DMA,
            pltpu.SemaphoreType.DMA,
            pltpu.SemaphoreType.DMA,
            pltpu.SemaphoreType.DMA,
            pltpu.SemaphoreType.DMA,
        ],
    )
    def body(table_hbm, dst_hbm, src_hbm, zero_hbm, zero8_hbm, ones_in,
             out_hbm, deg_hbm,
             dst_v, src_v, rows0_v, rows1_v, ones_v,
             acc_sh, deg_sh, sg0, ss0, ss1, sd0, sd1):
        c = lax.axis_index("c")
        s = lax.axis_index("s")

        pltpu.sync_copy(dst_hbm.at[s], dst_v)
        pltpu.sync_copy(src_hbm.at[s], src_v)

        zstage = rows0_v.at[pl.ds(0, _ZR)]
        dstage = ones_v.at[pl.ds(0, _ZR)]
        pltpu.sync_copy(zero_hbm, zstage)
        pltpu.sync_copy(zero8_hbm, dstage)

        @pl.loop(0, zsteps)
        def _(z):
            bid = s + z * _NSUB

            @pl.when(bid < nblk)
            def _():
                pltpu.sync_copy(zstage, acc_sh.at[pl.ds(bid * _ZR, _ZR)])
                pltpu.sync_copy(dstage, deg_sh.at[pl.ds(bid * _ZR, _ZR)])

        @pl.when(s == 0)
        def _():
            pltpu.sync_copy(rows0_v.at[pl.ds(0, 8)],
                            acc_sh.at[pl.ds(n_nodes, 8)])
            pltpu.sync_copy(ones_v.at[pl.ds(0, 8)],
                            deg_sh.at[pl.ds(n_nodes, 8)])

        pltpu.sync_copy(ones_in, ones_v)

        plsc.subcore_barrier()

        core_table = table_hbm.at[pl.ds(c * n_nodes, n_nodes)]

        def g_desc(j, buf, sem):
            return pltpu.make_async_copy(core_table.at[src_v.at[j]], buf, sem)

        def s_desc(j, buf, sem):
            return pltpu.make_async_copy(buf, acc_sh.at[dst_v.at[j]], sem)

        half = chunks // 2

        def d_desc(j, sem):
            return pltpu.make_async_copy(ones_v, deg_sh.at[dst_v.at[j]], sem)

        npairs = chunks // 2

        g_desc(0, rows0_v, sg0).start()

        @pl.loop(0, npairs)
        def _(g):
            j0 = 2 * g
            g_desc(j0, rows0_v, sg0).wait()
            s_desc(j0, rows0_v, ss0).start(add=True)

            @pl.when(c == 0)
            def _():
                d_desc(j0, sd0).start(add=True)

            @pl.when(g > 0)
            def _():
                s_desc(j0 - 1, rows1_v, ss1).wait()

                @pl.when(c == 0)
                def _():
                    d_desc(j0 - 1, sd1).wait()

            g_desc(j0 + 1, rows1_v, sg0).start()
            g_desc(j0 + 1, rows1_v, sg0).wait()
            s_desc(j0 + 1, rows1_v, ss1).start(add=True)

            @pl.when(c == 0)
            def _():
                d_desc(j0 + 1, sd1).start(add=True)

            s_desc(j0, rows0_v, ss0).wait()

            @pl.when(c == 0)
            def _():
                d_desc(j0, sd0).wait()

            @pl.when(g < npairs - 1)
            def _():
                g_desc(j0 + 2, rows0_v, sg0).start()

        last = 2 * npairs - 1
        s_desc(last, rows1_v, ss1).wait()

        @pl.when(c == 0)
        def _():
            d_desc(last, sd1).wait()

        if chunks % 2 == 1:
            g_desc(chunks - 1, rows0_v, sg0).start()
            g_desc(chunks - 1, rows0_v, sg0).wait()
            s_desc(chunks - 1, rows0_v, ss0).start(add=True)
            s_desc(chunks - 1, rows0_v, ss0).wait()

            @pl.when(c == 0)
            def _():
                d_desc(chunks - 1, sd0).start(add=True)
                d_desc(chunks - 1, sd0).wait()

        plsc.subcore_barrier()

        @pl.loop(0, zsteps)
        def _(z):
            bid = s + z * _NSUB

            @pl.when(bid < nblk)
            def _():
                base = bid * _ZR
                pltpu.sync_copy(acc_sh.at[pl.ds(base, _ZR)], zstage)
                pltpu.sync_copy(zstage,
                                out_hbm.at[pl.ds(c * n_nodes + base, _ZR)])
                @pl.when(c == 0)
                def _():
                    pltpu.sync_copy(deg_sh.at[pl.ds(base, _ZR)], dstage)
                    pltpu.sync_copy(dstage, deg_hbm.at[pl.ds(base, _ZR)])

    return body(table, dst3, src3, zrows, zrows8, ones_hbm)


def _tc_self_matmul(x, w, block_rows):
    n, d = x.shape
    dim = w.shape[1]

    def mm(x_ref, w_ref, o_ref):
        o_ref[...] = jnp.maximum(
            jnp.dot(x_ref[...], w_ref[...], preferred_element_type=jnp.float32),
            0.0)

    return pl.pallas_call(
        mm,
        grid=(n // block_rows,),
        in_specs=[
            pl.BlockSpec((block_rows, d), lambda i: (i, 0)),
            pl.BlockSpec((d, dim), lambda i: (0, 0)),
        ],
        out_specs=pl.BlockSpec((block_rows, dim), lambda i: (i, 0)),
        out_shape=jax.ShapeDtypeStruct((n, dim), jnp.float32),
    )(x, w)


def _tc_neigh_combine(from_self, w_self, acc, deg, w_neigh, n_nodes, h,
                      block_rows):
    dim = w_neigh.shape[1]
    half_block = n_nodes // block_rows

    def mm(fs_ref, ws_ref, a0_ref, a1_ref, deg_ref, wn_ref, o_ref):
        fs = jnp.maximum(
            jnp.dot(fs_ref[...], ws_ref[...],
                    preferred_element_type=jnp.float32), 0.0)
        acc0 = jnp.dot(a0_ref[...], wn_ref[:h, :],
                       preferred_element_type=jnp.float32)
        acc1 = jnp.dot(a1_ref[...], wn_ref[h:, :],
                       preferred_element_type=jnp.float32)
        recip = 1.0 / jnp.maximum(deg_ref[:, 0], 1e-7)
        o_ref[...] = fs + jnp.maximum((acc0 + acc1) * recip[:, None], 0.0)

    return pl.pallas_call(
        mm,
        grid=(n_nodes // block_rows,),
        in_specs=[
            pl.BlockSpec((block_rows, dim), lambda i: (i, 0)),
            pl.BlockSpec((dim, dim), lambda i: (0, 0)),
            pl.BlockSpec((block_rows, h), lambda i: (i, 0)),
            pl.BlockSpec((block_rows, h), lambda i: (half_block + i, 0)),
            pl.BlockSpec((block_rows, _DW), lambda i: (i, 0)),
            pl.BlockSpec((2 * h, dim), lambda i: (0, 0)),
        ],
        out_specs=pl.BlockSpec((block_rows, dim), lambda i: (i, 0)),
        out_shape=jax.ShapeDtypeStruct((n_nodes, dim), jnp.float32),
    )(from_self, w_self, acc, acc, deg, w_neigh)


def kernel(self_embedding, neigh_embedding, edge_index, W_self, W_neigh):
    n_nodes, d_feat = neigh_embedding.shape
    n_edges = edge_index.shape[1]
    h = d_feat // 2
    e_per_sub = n_edges // _NSUB
    k = 96
    chunks = -(-e_per_sub // k)
    pad = chunks * k - e_per_sub
    assert n_edges % _NSUB == 0 and n_nodes % _ZR == 0 and _ZR <= k

    dst = edge_index[0].astype(jnp.int32).reshape(_NSUB, e_per_sub)
    src = edge_index[1].astype(jnp.int32).reshape(_NSUB, e_per_sub)
    if pad:
        dst = jnp.concatenate(
            [dst, jnp.full((_NSUB, pad), n_nodes, jnp.int32)], axis=1)
        src = jnp.concatenate(
            [src, jnp.zeros((_NSUB, pad), jnp.int32)], axis=1)
    dst3 = dst.reshape(_NSUB, chunks, k)
    src3 = src.reshape(_NSUB, chunks, k)

    table = jnp.concatenate([neigh_embedding[:, :h], neigh_embedding[:, h:]],
                            axis=0)
    zrows = jnp.zeros((_ZR, h), jnp.float32)
    zrows8 = jnp.zeros((_ZR, _DW), jnp.float32)
    ones_hbm = jnp.ones((k, _DW), jnp.float32)

    summed, deg = _sc_aggregate(table, dst3, src3, zrows, zrows8, ones_hbm,
                                n_nodes, h, chunks, k)
    return _tc_neigh_combine(self_embedding, W_self, summed, deg, W_neigh,
                             n_nodes, h, block_rows=1000)

# --- scband reference (transcript-rebuilt; emitter-appended) ---
"""Pipeline reference for scband-mean-aggregator-72164040508245 (READ-ONLY COPY).

The authoritative reference and input builder live on the scoring server;
editing this copy changes nothing except your own understanding.
"""

import jax, jax.numpy as jnp
import numpy as np

N_NODES = 10000
N_EDGES = 160000
D_FEAT = 256
DIM = 256


def setup_inputs(seed: int = 0) -> dict:
    key = jax.random.key(seed)
    k1, k2, k3, k4, k5 = jax.random.split(key, 5)
    self_embedding = jax.random.normal(k1, (N_NODES, D_FEAT), dtype=jnp.float32)
    neigh_embedding = jax.random.normal(k2, (N_NODES, D_FEAT), dtype=jnp.float32)
    edge_index = jax.random.randint(k3, (2, N_EDGES), 0, N_NODES, dtype=jnp.int64)
    # Dense layer weights (no bias), glorot-ish scale
    scale = 1.0 / np.sqrt(D_FEAT)
    W_self = jax.random.normal(k4, (D_FEAT, DIM), dtype=jnp.float32) * scale
    W_neigh = jax.random.normal(k5, (D_FEAT, DIM), dtype=jnp.float32) * scale
    return {
        "self_embedding": self_embedding,
        "neigh_embedding": neigh_embedding,
        "edge_index": edge_index,
        "W_self": W_self,
        "W_neigh": W_neigh,
    }


def reference(self_embedding, neigh_embedding, edge_index, W_self, W_neigh):
    # adj is a sparse [N, N] matrix with ones at (dst, src) = edge_index.
    # sparse_reduce_sum(adj, 1) -> out-degree per dst row
    dst = edge_index[0]
    src = edge_index[1]
    ones = jnp.ones((edge_index.shape[1],), dtype=jnp.float32)
    degree = jax.ops.segment_sum(ones, dst, num_segments=N_NODES)
    degree = degree.reshape(-1, 1)
    # sparse_tensor_dense_matmul(adj, neigh_embedding): gather src rows, scatter-add into dst rows
    gathered = jnp.take(neigh_embedding, src, axis=0)
    summed = jax.ops.segment_sum(gathered, dst, num_segments=N_NODES)
    agg_embedding = summed / jnp.maximum(degree, 1e-07)
    from_self = jax.nn.relu(self_embedding @ W_self)
    from_neighs = jax.nn.relu(agg_embedding @ W_neigh)
    return from_self + from_neighs

if __name__ == "__main__":
    import jax
    _d = setup_inputs()
    print(jax.jit(kernel)(*tuple(_d.values())))

</pallas_src>

<mosaic_0001>
#map = affine_map<(d0, d1) -> (0, 0)>
#map1 = affine_map<(d0, d1) -> (0, 0, 0)>
module attributes {stable_mosaic.version = 14 : i64} {
  func.func @body(%arg0: i32, %arg1: i32, %arg2: memref<20000x128xf32, #tpu.memory_space<hbm>>, %arg3: memref<16x105x96xi32, #tpu.memory_space<hbm>>, %arg4: memref<16x105x96xi32, #tpu.memory_space<hbm>>, %arg5: memref<40x128xf32, #tpu.memory_space<hbm>>, %arg6: memref<40x8xf32, #tpu.memory_space<hbm>>, %arg7: memref<96x8xf32, #tpu.memory_space<hbm>>, %arg8: memref<20000x128xf32, #tpu.memory_space<hbm>>, %arg9: memref<10000x8xf32, #tpu.memory_space<hbm>>, %arg10: memref<105x96xi32, #tpu.memory_space<vmem>>, %arg11: memref<105x96xi32, #tpu.memory_space<vmem>>, %arg12: memref<96x128xf32, #tpu.memory_space<vmem>>, %arg13: memref<96x128xf32, #tpu.memory_space<vmem>>, %arg14: memref<96x8xf32, #tpu.memory_space<vmem>>, %arg15: memref<10008x128xf32, #tpu.memory_space<vmem_shared>>, %arg16: memref<10008x8xf32, #tpu.memory_space<vmem_shared>>, %arg17: memref<!tpu.dma_semaphore, #tpu.memory_space<semaphore_mem>>, %arg18: memref<!tpu.dma_semaphore, #tpu.memory_space<semaphore_mem>>, %arg19: memref<!tpu.dma_semaphore, #tpu.memory_space<semaphore_mem>>, %arg20: memref<!tpu.dma_semaphore, #tpu.memory_space<semaphore_mem>>, %arg21: memref<!tpu.dma_semaphore, #tpu.memory_space<semaphore_mem>>) attributes {dimension_semantics = [#tpu.dimension_semantics<core_parallel>, #tpu.dimension_semantics<subcore_parallel>], iteration_bounds = array<i64: 2, 16>, scalar_prefetch = 0 : i64, scratch_operands = 12 : i64, tpu.core_type = #tpu.core_type<sc_vector_subcore>, window_params = [{transform_indices = #map}, {transform_indices = #map1}, {transform_indices = #map1}, {transform_indices = #map}, {transform_indices = #map}, {transform_indices = #map}, {transform_indices = #map}, {transform_indices = #map}]} {
    "tpu.region"() ({
      %run_scoped3A = tpu.sem_alloc : memref<!tpu.dma_semaphore, #tpu.memory_space<semaphore_mem>>
      %dma_start3A_74 = arith.constant 0 : i32
      %dma_start3A_75 = arith.constant 0 : i32
      %dma_start3A_76 = tpu.memref_slice %arg3[%arg1, %dma_start3A_74, %dma_start3A_75] : memref<16x105x96xi32, #tpu.memory_space<hbm>> -> memref<1x105x96xi32, #tpu.memory_space<hbm>>
      %dma_start3A_77 = tpu.memref_squeeze %dma_start3A_76 : memref<1x105x96xi32, #tpu.memory_space<hbm>> -> memref<105x96xi32, #tpu.memory_space<hbm>>
      %dma_start3A_78 = arith.constant 0 : i32
      %dma_start3A_79 = arith.constant 0 : i32
      %dma_start3A_80 = tpu.memref_slice %arg3[%arg1, %dma_start3A_78, %dma_start3A_79] : memref<16x105x96xi32, #tpu.memory_space<hbm>> -> memref<1x105x96xi32, #tpu.memory_space<hbm>>
      %dma_start3A_81 = tpu.memref_squeeze %dma_start3A_80 : memref<1x105x96xi32, #tpu.memory_space<hbm>> -> memref<105x96xi32, #tpu.memory_space<hbm>>
      tpu.enqueue_dma source(%dma_start3A_81 : memref<105x96xi32, #tpu.memory_space<hbm>>) target(%arg10 : memref<105x96xi32, #tpu.memory_space<vmem>>) target_semaphore(%run_scoped3A : memref<!tpu.dma_semaphore, #tpu.memory_space<semaphore_mem>>)
      %dma_wait3A_82 = arith.constant 0 : i32
      %dma_wait3A_83 = arith.constant 0 : i32
      %dma_wait3A_84 = tpu.memref_slice %arg3[%arg1, %dma_wait3A_82, %dma_wait3A_83] : memref<16x105x96xi32, #tpu.memory_space<hbm>> -> memref<1x105x96xi32, #tpu.memory_space<hbm>>
      %dma_wait3A_85 = tpu.memref_squeeze %dma_wait3A_84 : memref<1x105x96xi32, #tpu.memory_space<hbm>> -> memref<105x96xi32, #tpu.memory_space<hbm>>
      %dma_wait3A_86 = arith.constant 0 : i32
      %dma_wait3A_87 = arith.constant 0 : i32
      %dma_wait3A_88 = tpu.memref_slice %arg3[%arg1, %dma_wait3A_86, %dma_wait3A_87] : memref<16x105x96xi32, #tpu.memory_space<hbm>> -> memref<1x105x96xi32, #tpu.memory_space<hbm>>
      %dma_wait3A_89 = tpu.memref_squeeze %dma_wait3A_88 : memref<1x105x96xi32, #tpu.memory_space<hbm>> -> memref<105x96xi32, #tpu.memory_space<hbm>>
      tpu.wait_dma2 semaphore(%run_scoped3A : memref<!tpu.dma_semaphore, #tpu.memory_space<semaphore_mem>>) src(%dma_wait3A_89 : memref<105x96xi32, #tpu.memory_space<hbm>>) dst(%arg10 : memref<105x96xi32, #tpu.memory_space<vmem>>)
      tpu.yield
    }) : () -> ()
    "tpu.region"() ({
      %run_scoped3A = tpu.sem_alloc : memref<!tpu.dma_semaphore, #tpu.memory_space<semaphore_mem>>
      %dma_start3A_74 = arith.constant 0 : i32
      %dma_start3A_75 = arith.constant 0 : i32
      %dma_start3A_76 = tpu.memref_slice %arg4[%arg1, %dma_start3A_74, %dma_start3A_75] : memref<16x105x96xi32, #tpu.memory_space<hbm>> -> memref<1x105x96xi32, #tpu.memory_space<hbm>>
      %dma_start3A_77 = tpu.memref_squeeze %dma_start3A_76 : memref<1x105x96xi32, #tpu.memory_space<hbm>> -> memref<105x96xi32, #tpu.memory_space<hbm>>
      %dma_start3A_78 = arith.constant 0 : i32
      %dma_start3A_79 = arith.constant 0 : i32
      %dma_start3A_80 = tpu.memref_slice %arg4[%arg1, %dma_start3A_78, %dma_start3A_79] : memref<16x105x96xi32, #tpu.memory_space<hbm>> -> memref<1x105x96xi32, #tpu.memory_space<hbm>>
      %dma_start3A_81 = tpu.memref_squeeze %dma_start3A_80 : memref<1x105x96xi32, #tpu.memory_space<hbm>> -> memref<105x96xi32, #tpu.memory_space<hbm>>
      tpu.enqueue_dma source(%dma_start3A_81 : memref<105x96xi32, #tpu.memory_space<hbm>>) target(%arg11 : memref<105x96xi32, #tpu.memory_space<vmem>>) target_semaphore(%run_scoped3A : memref<!tpu.dma_semaphore, #tpu.memory_space<semaphore_mem>>)
      %dma_wait3A_82 = arith.constant 0 : i32
      %dma_wait3A_83 = arith.constant 0 : i32
      %dma_wait3A_84 = tpu.memref_slice %arg4[%arg1, %dma_wait3A_82, %dma_wait3A_83] : memref<16x105x96xi32, #tpu.memory_space<hbm>> -> memref<1x105x96xi32, #tpu.memory_space<hbm>>
      %dma_wait3A_85 = tpu.memref_squeeze %dma_wait3A_84 : memref<1x105x96xi32, #tpu.memory_space<hbm>> -> memref<105x96xi32, #tpu.memory_space<hbm>>
      %dma_wait3A_86 = arith.constant 0 : i32
      %dma_wait3A_87 = arith.constant 0 : i32
      %dma_wait3A_88 = tpu.memref_slice %arg4[%arg1, %dma_wait3A_86, %dma_wait3A_87] : memref<16x105x96xi32, #tpu.memory_space<hbm>> -> memref<1x105x96xi32, #tpu.memory_space<hbm>>
      %dma_wait3A_89 = tpu.memref_squeeze %dma_wait3A_88 : memref<1x105x96xi32, #tpu.memory_space<hbm>> -> memref<105x96xi32, #tpu.memory_space<hbm>>
      tpu.wait_dma2 semaphore(%run_scoped3A : memref<!tpu.dma_semaphore, #tpu.memory_space<semaphore_mem>>) src(%dma_wait3A_89 : memref<105x96xi32, #tpu.memory_space<hbm>>) dst(%arg11 : memref<105x96xi32, #tpu.memory_space<vmem>>)
      tpu.yield
    }) : () -> ()
    "tpu.region"() ({
      %run_scoped3A = tpu.sem_alloc : memref<!tpu.dma_semaphore, #tpu.memory_space<semaphore_mem>>
      %dma_start3A_74 = arith.constant 0 : i32
      %dma_start3A_75 = arith.constant 0 : i32
      %dma_start3A_76 = tpu.memref_slice %arg12[%dma_start3A_74, %dma_start3A_75] : memref<96x128xf32, #tpu.memory_space<vmem>> -> memref<40x128xf32, #tpu.memory_space<vmem>>
      %dma_start3A_77 = arith.constant 0 : i32
      %dma_start3A_78 = arith.constant 0 : i32
      %dma_start3A_79 = tpu.memref_slice %arg12[%dma_start3A_77, %dma_start3A_78] : memref<96x128xf32, #tpu.memory_space<vmem>> -> memref<40x128xf32, #tpu.memory_space<vmem>>
      tpu.enqueue_dma source(%arg5 : memref<40x128xf32, #tpu.memory_space<hbm>>) target(%dma_start3A_79 : memref<40x128xf32, #tpu.memory_space<vmem>>) target_semaphore(%run_scoped3A : memref<!tpu.dma_semaphore, #tpu.memory_space<semaphore_mem>>)
      %dma_wait3A_80 = arith.constant 0 : i32
      %dma_wait3A_81 = arith.constant 0 : i32
      %dma_wait3A_82 = tpu.memref_slice %arg12[%dma_wait3A_80, %dma_wait3A_81] : memref<96x128xf32, #tpu.memory_space<vmem>> -> memref<40x128xf32, #tpu.memory_space<vmem>>
      %dma_wait3A_83 = arith.constant 0 : i32
      %dma_wait3A_84 = arith.constant 0 : i32
      %dma_wait3A_85 = tpu.memref_slice %arg12[%dma_wait3A_83, %dma_wait3A_84] : memref<96x128xf32, #tpu.memory_space<vmem>> -> memref<40x128xf32, #tpu.memory_space<vmem>>
      tpu.wait_dma2 semaphore(%run_scoped3A : memref<!tpu.dma_semaphore, #tpu.memory_space<semaphore_mem>>) src(%arg5 : memref<40x128xf32, #tpu.memory_space<hbm>>) dst(%dma_wait3A_85 : memref<40x128xf32, #tpu.memory_space<vmem>>)
      tpu.yield
    }) : () -> ()
    "tpu.region"() ({
      %run_scoped3A = tpu.sem_alloc : memref<!tpu.dma_semaphore, #tpu.memory_space<semaphore_mem>>
      %dma_start3A_74 = arith.constant 0 : i32
      %dma_start3A_75 = arith.constant 0 : i32
      %dma_start3A_76 = tpu.memref_slice %arg14[%dma_start3A_74, %dma_start3A_75] : memref<96x8xf32, #tpu.memory_space<vmem>> -> memref<40x8xf32, #tpu.memory_space<vmem>>
      %dma_start3A_77 = arith.constant 0 : i32
      %dma_start3A_78 = arith.constant 0 : i32
      %dma_start3A_79 = tpu.memref_slice %arg14[%dma_start3A_77, %dma_start3A_78] : memref<96x8xf32, #tpu.memory_space<vmem>> -> memref<40x8xf32, #tpu.memory_space<vmem>>
      tpu.enqueue_dma source(%arg6 : memref<40x8xf32, #tpu.memory_space<hbm>>) target(%dma_start3A_79 : memref<40x8xf32, #tpu.memory_space<vmem>>) target_semaphore(%run_scoped3A : memref<!tpu.dma_semaphore, #tpu.memory_space<semaphore_mem>>)
      %dma_wait3A_80 = arith.constant 0 : i32
      %dma_wait3A_81 = arith.constant 0 : i32
      %dma_wait3A_82 = tpu.memref_slice %arg14[%dma_wait3A_80, %dma_wait3A_81] : memref<96x8xf32, #tpu.memory_space<vmem>> -> memref<40x8xf32, #tpu.memory_space<vmem>>
      %dma_wait3A_83 = arith.constant 0 : i32
      %dma_wait3A_84 = arith.constant 0 : i32
      %dma_wait3A_85 = tpu.memref_slice %arg14[%dma_wait3A_83, %dma_wait3A_84] : memref<96x8xf32, #tpu.memory_space<vmem>> -> memref<40x8xf32, #tpu.memory_space<vmem>>
      tpu.wait_dma2 semaphore(%run_scoped3A : memref<!tpu.dma_semaphore, #tpu.memory_space<semaphore_mem>>) src(%arg6 : memref<40x8xf32, #tpu.memory_space<hbm>>) dst(%dma_wait3A_85 : memref<40x8xf32, #tpu.memory_space<vmem>>)
      tpu.yield
    }) : () -> ()
    %scan3A = arith.constant 0 : i32
    %scan3A_0 = arith.constant 16 : i32
    %scan3A_1 = arith.addi %scan3A, %scan3A_0 : i32
    %scan3A_2 = arith.constant 1 : i32
    scf.for %scan3A_74 = %scan3A to %scan3A_1 step %scan3A_2  : i32 {
      %mul3A_75 = arith.constant 1 : i32
      %mul3A_76 = arith.muli %scan3A_74, %mul3A_75 : i32
      %add3A = arith.constant 0 : i32
      %add3A_77 = arith.addi %add3A, %mul3A_76 : i32
      %mul3A_78 = arith.constant 16 : i32
      %mul3A_79 = arith.muli %add3A_77, %mul3A_78 : i32
      %add3A_80 = arith.addi %arg1, %mul3A_79 : i32
      %lt3A = arith.constant 250 : i32
      %lt3A_81 = arith.cmpi slt, %add3A_80, %lt3A : i32
      %convert_element_type3A_82 = arith.extui %lt3A_81 : i1 to i32
      %cond3A_83 = arith.constant 0 : i32
      %cond3A_84 = arith.cmpi ne, %convert_element_type3A_82, %cond3A_83 : i32
      scf.if %cond3A_84 {
        %mul3A_85 = arith.constant 40 : i32
        %mul3A_86 = arith.muli %add3A_80, %mul3A_85 : i32
        "tpu.region"() ({
          %run_scoped3A = tpu.sem_alloc : memref<!tpu.dma_semaphore, #tpu.memory_space<semaphore_mem>>
          %dma_start3A_89 = arith.constant 0 : i32
          %dma_start3A_90 = arith.constant 0 : i32
          %dma_start3A_91 = tpu.memref_slice %arg12[%dma_start3A_89, %dma_start3A_90] : memref<96x128xf32, #tpu.memory_space<vmem>> -> memref<40x128xf32, #tpu.memory_space<vmem>>
          %dma_start3A_92 = arith.constant 0 : i32
          %dma_start3A_93 = tpu.memref_slice %arg15[%mul3A_86, %dma_start3A_92] : memref<10008x128xf32, #tpu.memory_space<vmem_shared>> -> memref<40x128xf32, #tpu.memory_space<vmem_shared>>
          %dma_start3A_94 = arith.constant 0 : i32
          %dma_start3A_95 = tpu.memref_slice %arg15[%mul3A_86, %dma_start3A_94] : memref<10008x128xf32, #tpu.memory_space<vmem_shared>> -> memref<40x128xf32, #tpu.memory_space<vmem_shared>>
          %dma_start3A_96 = arith.constant 0 : i32
          %dma_start3A_97 = arith.constant 0 : i32
          %dma_start3A_98 = tpu.memref_slice %arg12[%dma_start3A_96, %dma_start3A_97] : memref<96x128xf32, #tpu.memory_space<vmem>> -> memref<40x128xf32, #tpu.memory_space<vmem>>
          tpu.enqueue_dma source(%dma_start3A_98 : memref<40x128xf32, #tpu.memory_space<vmem>>) target(%dma_start3A_95 : memref<40x128xf32, #tpu.memory_space<vmem_shared>>) target_semaphore(%run_scoped3A : memref<!tpu.dma_semaphore, #tpu.memory_space<semaphore_mem>>)
          %dma_wait3A_99 = arith.constant 0 : i32
          %dma_wait3A_100 = arith.constant 0 : i32
          %dma_wait3A_101 = tpu.memref_slice %arg12[%dma_wait3A_99, %dma_wait3A_100] : memref<96x128xf32, #tpu.memory_space<vmem>> -> memref<40x128xf32, #tpu.memory_space<vmem>>
          %dma_wait3A_102 = arith.constant 0 : i32
          %dma_wait3A_103 = tpu.memref_slice %arg15[%mul3A_86, %dma_wait3A_102] : memref<10008x128xf32, #tpu.memory_space<vmem_shared>> -> memref<40x128xf32, #tpu.memory_space<vmem_shared>>
          %dma_wait3A_104 = arith.constant 0 : i32
          %dma_wait3A_105 = tpu.memref_slice %arg15[%mul3A_86, %dma_wait3A_104] : memref<10008x128xf32, #tpu.memory_space<vmem_shared>> -> memref<40x128xf32, #tpu.memory_space<vmem_shared>>
          %dma_wait3A_106 = arith.constant 0 : i32
          %dma_wait3A_107 = arith.constant 0 : i32
          %dma_wait3A_108 = tpu.memref_slice %arg12[%dma_wait3A_106, %dma_wait3A_107] : memref<96x128xf32, #tpu.memory_space<vmem>> -> memref<40x128xf32, #tpu.memory_space<vmem>>
          tpu.wait_dma2 semaphore(%run_scoped3A : memref<!tpu.dma_semaphore, #tpu.memory_space<semaphore_mem>>) src(%dma_wait3A_108 : memref<40x128xf32, #tpu.memory_space<vmem>>) dst(%dma_wait3A_105 : memref<40x128xf32, #tpu.memory_space<vmem_shared>>)
          tpu.yield
        }) : () -> ()
        %mul3A_87 = arith.constant 40 : i32
        %mul3A_88 = arith.muli %add3A_80, %mul3A_87 : i32
        "tpu.region"() ({
          %run_scoped3A = tpu.sem_alloc : memref<!tpu.dma_semaphore, #tpu.memory_space<semaphore_mem>>
          %dma_start3A_89 = arith.constant 0 : i32
          %dma_start3A_90 = arith.constant 0 : i32
          %dma_start3A_91 = tpu.memref_slice %arg14[%dma_start3A_89, %dma_start3A_90] : memref<96x8xf32, #tpu.memory_space<vmem>> -> memref<40x8xf32, #tpu.memory_space<vmem>>
          %dma_start3A_92 = arith.constant 0 : i32
          %dma_start3A_93 = tpu.memref_slice %arg16[%mul3A_88, %dma_start3A_92] : memref<10008x8xf32, #tpu.memory_space<vmem_shared>> -> memref<40x8xf32, #tpu.memory_space<vmem_shared>>
          %dma_start3A_94 = arith.constant 0 : i32
          %dma_start3A_95 = tpu.memref_slice %arg16[%mul3A_88, %dma_start3A_94] : memref<10008x8xf32, #tpu.memory_space<vmem_shared>> -> memref<40x8xf32, #tpu.memory_space<vmem_shared>>
          %dma_start3A_96 = arith.constant 0 : i32
          %dma_start3A_97 = arith.constant 0 : i32
          %dma_start3A_98 = tpu.memref_slice %arg14[%dma_start3A_96, %dma_start3A_97] : memref<96x8xf32, #tpu.memory_space<vmem>> -> memref<40x8xf32, #tpu.memory_space<vmem>>
          tpu.enqueue_dma source(%dma_start3A_98 : memref<40x8xf32, #tpu.memory_space<vmem>>) target(%dma_start3A_95 : memref<40x8xf32, #tpu.memory_space<vmem_shared>>) target_semaphore(%run_scoped3A : memref<!tpu.dma_semaphore, #tpu.memory_space<semaphore_mem>>)
          %dma_wait3A_99 = arith.constant 0 : i32
          %dma_wait3A_100 = arith.constant 0 : i32
          %dma_wait3A_101 = tpu.memref_slice %arg14[%dma_wait3A_99, %dma_wait3A_100] : memref<96x8xf32, #tpu.memory_space<vmem>> -> memref<40x8xf32, #tpu.memory_space<vmem>>
          %dma_wait3A_102 = arith.constant 0 : i32
          %dma_wait3A_103 = tpu.memref_slice %arg16[%mul3A_88, %dma_wait3A_102] : memref<10008x8xf32, #tpu.memory_space<vmem_shared>> -> memref<40x8xf32, #tpu.memory_space<vmem_shared>>
          %dma_wait3A_104 = arith.constant 0 : i32
          %dma_wait3A_105 = tpu.memref_slice %arg16[%mul3A_88, %dma_wait3A_104] : memref<10008x8xf32, #tpu.memory_space<vmem_shared>> -> memref<40x8xf32, #tpu.memory_space<vmem_shared>>
          %dma_wait3A_106 = arith.constant 0 : i32
          %dma_wait3A_107 = arith.constant 0 : i32
          %dma_wait3A_108 = tpu.memref_slice %arg14[%dma_wait3A_106, %dma_wait3A_107] : memref<96x8xf32, #tpu.memory_space<vmem>> -> memref<40x8xf32, #tpu.memory_space<vmem>>
          tpu.wait_dma2 semaphore(%run_scoped3A : memref<!tpu.dma_semaphore, #tpu.memory_space<semaphore_mem>>) src(%dma_wait3A_108 : memref<40x8xf32, #tpu.memory_space<vmem>>) dst(%dma_wait3A_105 : memref<40x8xf32, #tpu.memory_space<vmem_shared>>)
          tpu.yield
        }) : () -> ()
      } else {
      }
    }
    %scan3A_3 = arith.constant 16 : i32
    %eq3A = arith.constant 0 : i32
    %eq3A_4 = arith.cmpi eq, %arg1, %eq3A : i32
    %convert_element_type3A = arith.extui %eq3A_4 : i1 to i32
    %cond3A = arith.constant 0 : i32
    %cond3A_5 = arith.cmpi ne, %convert_element_type3A, %cond3A : i32
    scf.if %cond3A_5 {
      "tpu.region"() ({
        %run_scoped3A = tpu.sem_alloc : memref<!tpu.dma_semaphore, #tpu.memory_space<semaphore_mem>>
        %dma_start3A_74 = arith.constant 0 : i32
        %dma_start3A_75 = arith.constant 0 : i32
        %dma_start3A_76 = tpu.memref_slice %arg12[%dma_start3A_74, %dma_start3A_75] : memref<96x128xf32, #tpu.memory_space<vmem>> -> memref<8x128xf32, #tpu.memory_space<vmem>>
        %dma_start3A_77 = arith.constant 10000 : i32
        %dma_start3A_78 = arith.constant 0 : i32
        %dma_start3A_79 = tpu.memref_slice %arg15[%dma_start3A_77, %dma_start3A_78] : memref<10008x128xf32, #tpu.memory_space<vmem_shared>> -> memref<8x128xf32, #tpu.memory_space<vmem_shared>>
        %dma_start3A_80 = arith.constant 10000 : i32
        %dma_start3A_81 = arith.constant 0 : i32
        %dma_start3A_82 = tpu.memref_slice %arg15[%dma_start3A_80, %dma_start3A_81] : memref<10008x128xf32, #tpu.memory_space<vmem_shared>> -> memref<8x128xf32, #tpu.memory_space<vmem_shared>>
        %dma_start3A_83 = arith.constant 0 : i32
        %dma_start3A_84 = arith.constant 0 : i32
        %dma_start3A_85 = tpu.memref_slice %arg12[%dma_start3A_83, %dma_start3A_84] : memref<96x128xf32, #tpu.memory_space<vmem>> -> memref<8x128xf32, #tpu.memory_space<vmem>>
        tpu.enqueue_dma source(%dma_start3A_85 : memref<8x128xf32, #tpu.memory_space<vmem>>) target(%dma_start3A_82 : memref<8x128xf32, #tpu.memory_space<vmem_shared>>) target_semaphore(%run_scoped3A : memref<!tpu.dma_semaphore, #tpu.memory_space<semaphore_mem>>)
        %dma_wait3A_86 = arith.constant 0 : i32
        %dma_wait3A_87 = arith.constant 0 : i32
        %dma_wait3A_88 = tpu.memref_slice %arg12[%dma_wait3A_86, %dma_wait3A_87] : memref<96x128xf32, #tpu.memory_space<vmem>> -> memref<8x128xf32, #tpu.memory_space<vmem>>
        %dma_wait3A_89 = arith.constant 10000 : i32
        %dma_wait3A_90 = arith.constant 0 : i32
        %dma_wait3A_91 = tpu.memref_slice %arg15[%dma_wait3A_89, %dma_wait3A_90] : memref<10008x128xf32, #tpu.memory_space<vmem_shared>> -> memref<8x128xf32, #tpu.memory_space<vmem_shared>>
        %dma_wait3A_92 = arith.constant 10000 : i32
        %dma_wait3A_93 = arith.constant 0 : i32
        %dma_wait3A_94 = tpu.memref_slice %arg15[%dma_wait3A_92, %dma_wait3A_93] : memref<10008x128xf32, #tpu.memory_space<vmem_shared>> -> memref<8x128xf32, #tpu.memory_space<vmem_shared>>
        %dma_wait3A_95 = arith.constant 0 : i32
        %dma_wait3A_96 = arith.constant 0 : i32
        %dma_wait3A_97 = tpu.memref_slice %arg12[%dma_wait3A_95, %dma_wait3A_96] : memref<96x128xf32, #tpu.memory_space<vmem>> -> memref<8x128xf32, #tpu.memory_space<vmem>>
        tpu.wait_dma2 semaphore(%run_scoped3A : memref<!tpu.dma_semaphore, #tpu.memory_space<semaphore_mem>>) src(%dma_wait3A_97 : memref<8x128xf32, #tpu.memory_space<vmem>>) dst(%dma_wait3A_94 : memref<8x128xf32, #tpu.memory_space<vmem_shared>>)
        tpu.yield
      }) : () -> ()
      "tpu.region"() ({
        %run_scoped3A = tpu.sem_alloc : memref<!tpu.dma_semaphore, #tpu.memory_space<semaphore_mem>>
        %dma_start3A_74 = arith.constant 0 : i32
        %dma_start3A_75 = arith.constant 0 : i32
        %dma_start3A_76 = tpu.memref_slice %arg14[%dma_start3A_74, %dma_start3A_75] : memref<96x8xf32, #tpu.memory_space<vmem>> -> memref<8x8xf32, #tpu.memory_space<vmem>>
        %dma_start3A_77 = arith.constant 10000 : i32
        %dma_start3A_78 = arith.constant 0 : i32
        %dma_start3A_79 = tpu.memref_slice %arg16[%dma_start3A_77, %dma_start3A_78] : memref<10008x8xf32, #tpu.memory_space<vmem_shared>> -> memref<8x8xf32, #tpu.memory_space<vmem_shared>>
        %dma_start3A_80 = arith.constant 10000 : i32
        %dma_start3A_81 = arith.constant 0 : i32
        %dma_start3A_82 = tpu.memref_slice %arg16[%dma_start3A_80, %dma_start3A_81] : memref<10008x8xf32, #tpu.memory_space<vmem_shared>> -> memref<8x8xf32, #tpu.memory_space<vmem_shared>>
        %dma_start3A_83 = arith.constant 0 : i32
        %dma_start3A_84 = arith.constant 0 : i32
        %dma_start3A_85 = tpu.memref_slice %arg14[%dma_start3A_83, %dma_start3A_84] : memref<96x8xf32, #tpu.memory_space<vmem>> -> memref<8x8xf32, #tpu.memory_space<vmem>>
        tpu.enqueue_dma source(%dma_start3A_85 : memref<8x8xf32, #tpu.memory_space<vmem>>) target(%dma_start3A_82 : memref<8x8xf32, #tpu.memory_space<vmem_shared>>) target_semaphore(%run_scoped3A : memref<!tpu.dma_semaphore, #tpu.memory_space<semaphore_mem>>)
        %dma_wait3A_86 = arith.constant 0 : i32
        %dma_wait3A_87 = arith.constant 0 : i32
        %dma_wait3A_88 = tpu.memref_slice %arg14[%dma_wait3A_86, %dma_wait3A_87] : memref<96x8xf32, #tpu.memory_space<vmem>> -> memref<8x8xf32, #tpu.memory_space<vmem>>
        %dma_wait3A_89 = arith.constant 10000 : i32
        %dma_wait3A_90 = arith.constant 0 : i32
        %dma_wait3A_91 = tpu.memref_slice %arg16[%dma_wait3A_89, %dma_wait3A_90] : memref<10008x8xf32, #tpu.memory_space<vmem_shared>> -> memref<8x8xf32, #tpu.memory_space<vmem_shared>>
        %dma_wait3A_92 = arith.constant 10000 : i32
        %dma_wait3A_93 = arith.constant 0 : i32
        %dma_wait3A_94 = tpu.memref_slice %arg16[%dma_wait3A_92, %dma_wait3A_93] : memref<10008x8xf32, #tpu.memory_space<vmem_shared>> -> memref<8x8xf32, #tpu.memory_space<vmem_shared>>
        %dma_wait3A_95 = arith.constant 0 : i32
        %dma_wait3A_96 = arith.constant 0 : i32
        %dma_wait3A_97 = tpu.memref_slice %arg14[%dma_wait3A_95, %dma_wait3A_96] : memref<96x8xf32, #tpu.memory_space<vmem>> -> memref<8x8xf32, #tpu.memory_space<vmem>>
        tpu.wait_dma2 semaphore(%run_scoped3A : memref<!tpu.dma_semaphore, #tpu.memory_space<semaphore_mem>>) src(%dma_wait3A_97 : memref<8x8xf32, #tpu.memory_space<vmem>>) dst(%dma_wait3A_94 : memref<8x8xf32, #tpu.memory_space<vmem_shared>>)
        tpu.yield
      }) : () -> ()
    } else {
    }
    "tpu.region"() ({
      %run_scoped3A = tpu.sem_alloc : memref<!tpu.dma_semaphore, #tpu.memory_space<semaphore_mem>>
      tpu.enqueue_dma source(%arg7 : memref<96x8xf32, #tpu.memory_space<hbm>>) target(%arg14 : memref<96x8xf32, #tpu.memory_space<vmem>>) target_semaphore(%run_scoped3A : memref<!tpu.dma_semaphore, #tpu.memory_space<semaphore_mem>>)
      tpu.wait_dma2 semaphore(%run_scoped3A : memref<!tpu.dma_semaphore, #tpu.memory_space<semaphore_mem>>) src(%arg7 : memref<96x8xf32, #tpu.memory_space<hbm>>) dst(%arg14 : memref<96x8xf32, #tpu.memory_space<vmem>>)
      tpu.yield
    }) : () -> ()
    %barrier3A = arith.constant 0 : index
    tpu.barrier barrier_id(%barrier3A)
    %mul3A = arith.constant 10000 : i32
    %mul3A_6 = arith.muli %arg0, %mul3A : i32
    %dma_start3A = arith.constant 0 : i32
    %dma_start3A_7 = arith.constant 0 : i32
    %dma_start3A_8 = tpu.memref_slice %arg11[%dma_start3A, %dma_start3A_7] : memref<105x96xi32, #tpu.memory_space<vmem>> -> memref<1x96xi32, #tpu.memory_space<vmem>>
    %dma_start3A_9 = tpu.memref_squeeze %dma_start3A_8 : memref<1x96xi32, #tpu.memory_space<vmem>> -> memref<96xi32, #tpu.memory_space<vmem>>
    %dma_start3A_10 = arith.constant 0 : i32
    %dma_start3A_11 = tpu.memref_slice %arg2[%mul3A_6, %dma_start3A_10] : memref<20000x128xf32, #tpu.memory_space<hbm>> -> memref<10000x128xf32, #tpu.memory_space<hbm>>
    %dma_start3A_12 = arith.constant 0 : i32
    %dma_start3A_13 = arith.constant 0 : i32
    %dma_start3A_14 = tpu.memref_slice %dma_start3A_11[%dma_start3A_12, %dma_start3A_13] : memref<10000x128xf32, #tpu.memory_space<hbm>> -> memref<10000x128xf32, #tpu.memory_space<hbm>>
    tpu.enqueue_indirect_dma source(%dma_start3A_14 : memref<10000x128xf32, #tpu.memory_space<hbm>>) target(%arg12 : memref<96x128xf32, #tpu.memory_space<vmem>>) offsets(%dma_start3A_9 : memref<96xi32, #tpu.memory_space<vmem>>) semaphore(%arg17 : memref<!tpu.dma_semaphore, #tpu.memory_space<semaphore_mem>>)
    %scan3A_15 = arith.constant 0 : i32
    %scan3A_16 = arith.constant 52 : i32
    %scan3A_17 = arith.addi %scan3A_15, %scan3A_16 : i32
    %scan3A_18 = arith.constant 1 : i32
    scf.for %scan3A_74 = %scan3A_15 to %scan3A_17 step %scan3A_18  : i32 {
      %mul3A_75 = arith.constant 1 : i32
      %mul3A_76 = arith.muli %scan3A_74, %mul3A_75 : i32
      %add3A = arith.constant 0 : i32
      %add3A_77 = arith.addi %add3A, %mul3A_76 : i32
      %mul3A_78 = arith.constant 2 : i32
      %mul3A_79 = arith.muli %mul3A_78, %add3A_77 : i32
      %dma_wait3A_80 = arith.constant 0 : i32
      %dma_wait3A_81 = tpu.memref_slice %arg11[%mul3A_79, %dma_wait3A_80] : memref<105x96xi32, #tpu.memory_space<vmem>> -> memref<1x96xi32, #tpu.memory_space<vmem>>
      %dma_wait3A_82 = tpu.memref_squeeze %dma_wait3A_81 : memref<1x96xi32, #tpu.memory_space<vmem>> -> memref<96xi32, #tpu.memory_space<vmem>>
      %dma_wait3A_83 = arith.constant 0 : i32
      %dma_wait3A_84 = tpu.memref_slice %arg2[%mul3A_6, %dma_wait3A_83] : memref<20000x128xf32, #tpu.memory_space<hbm>> -> memref<10000x128xf32, #tpu.memory_space<hbm>>
      %dma_wait3A_85 = arith.constant 0 : i32
      %dma_wait3A_86 = arith.constant 0 : i32
      %dma_wait3A_87 = tpu.memref_slice %dma_wait3A_84[%dma_wait3A_85, %dma_wait3A_86] : memref<10000x128xf32, #tpu.memory_space<hbm>> -> memref<10000x128xf32, #tpu.memory_space<hbm>>
      tpu.wait_indirect_dma semaphore(%arg17 : memref<!tpu.dma_semaphore, #tpu.memory_space<semaphore_mem>>) src(%dma_wait3A_87 : memref<10000x128xf32, #tpu.memory_space<hbm>>) dst(%arg12 : memref<96x128xf32, #tpu.memory_space<vmem>>)
      %dma_start3A_88 = arith.constant 0 : i32
      %dma_start3A_89 = tpu.memref_slice %arg10[%mul3A_79, %dma_start3A_88] : memref<105x96xi32, #tpu.memory_space<vmem>> -> memref<1x96xi32, #tpu.memory_space<vmem>>
      %dma_start3A_90 = tpu.memref_squeeze %dma_start3A_89 : memref<1x96xi32, #tpu.memory_space<vmem>> -> memref<96xi32, #tpu.memory_space<vmem>>
      %dma_start3A_91 = arith.constant 0 : i32
      %dma_start3A_92 = arith.constant 0 : i32
      %dma_start3A_93 = tpu.memref_slice %arg15[%dma_start3A_91, %dma_start3A_92] : memref<10008x128xf32, #tpu.memory_space<vmem_shared>> -> memref<10008x128xf32, #tpu.memory_space<vmem_shared>>
      tpu.enqueue_indirect_dma source(%arg12 : memref<96x128xf32, #tpu.memory_space<vmem>>) target(%dma_start3A_93 : memref<10008x128xf32, #tpu.memory_space<vmem_shared>>) offsets(%dma_start3A_90 : memref<96xi32, #tpu.memory_space<vmem>>) semaphore(%arg18 : memref<!tpu.dma_semaphore, #tpu.memory_space<semaphore_mem>>) {add = true}
      %eq3A_94 = arith.constant 0 : i32
      %eq3A_95 = arith.cmpi eq, %arg0, %eq3A_94 : i32
      %convert_element_type3A_96 = arith.extui %eq3A_95 : i1 to i32
      %cond3A_97 = arith.constant 0 : i32
      %cond3A_98 = arith.cmpi ne, %convert_element_type3A_96, %cond3A_97 : i32
      scf.if %cond3A_98 {
        %dma_start3A_151 = arith.constant 0 : i32
        %dma_start3A_152 = tpu.memref_slice %arg10[%mul3A_79, %dma_start3A_151] : memref<105x96xi32, #tpu.memory_space<vmem>> -> memref<1x96xi32, #tpu.memory_space<vmem>>
        %dma_start3A_153 = tpu.memref_squeeze %dma_start3A_152 : memref<1x96xi32, #tpu.memory_space<vmem>> -> memref<96xi32, #tpu.memory_space<vmem>>
        %dma_start3A_154 = arith.constant 0 : i32
        %dma_start3A_155 = arith.constant 0 : i32
        %dma_start3A_156 = tpu.memref_slice %arg16[%dma_start3A_154, %dma_start3A_155] : memref<10008x8xf32, #tpu.memory_space<vmem_shared>> -> memref<10008x8xf32, #tpu.memory_space<vmem_shared>>
        tpu.enqueue_indirect_dma source(%arg14 : memref<96x8xf32, #tpu.memory_space<vmem>>) target(%dma_start3A_156 : memref<10008x8xf32, #tpu.memory_space<vmem_shared>>) offsets(%dma_start3A_153 : memref<96xi32, #tpu.memory_space<vmem>>) semaphore(%arg20 : memref<!tpu.dma_semaphore, #tpu.memory_space<semaphore_mem>>) {add = true}
      } else {
      }
      %gt3A = arith.constant 0 : i32
      %gt3A_99 = arith.cmpi sgt, %add3A_77, %gt3A : i32
      %convert_element_type3A_100 = arith.extui %gt3A_99 : i1 to i32
      %cond3A_101 = arith.constant 0 : i32
      %cond3A_102 = arith.cmpi ne, %convert_element_type3A_100, %cond3A_101 : i32
      scf.if %cond3A_102 {
        %sub3A = arith.constant 1 : i32
        %sub3A_151 = arith.subi %mul3A_79, %sub3A : i32
        %dma_wait3A_152 = arith.constant 0 : i32
        %dma_wait3A_153 = tpu.memref_slice %arg10[%sub3A_151, %dma_wait3A_152] : memref<105x96xi32, #tpu.memory_space<vmem>> -> memref<1x96xi32, #tpu.memory_space<vmem>>
        %dma_wait3A_154 = tpu.memref_squeeze %dma_wait3A_153 : memref<1x96xi32, #tpu.memory_space<vmem>> -> memref<96xi32, #tpu.memory_space<vmem>>
        %dma_wait3A_155 = arith.constant 0 : i32
        %dma_wait3A_156 = arith.constant 0 : i32
        %dma_wait3A_157 = tpu.memref_slice %arg15[%dma_wait3A_155, %dma_wait3A_156] : memref<10008x128xf32, #tpu.memory_space<vmem_shared>> -> memref<10008x128xf32, #tpu.memory_space<vmem_shared>>
        tpu.wait_indirect_dma semaphore(%arg19 : memref<!tpu.dma_semaphore, #tpu.memory_space<semaphore_mem>>) src(%arg13 : memref<96x128xf32, #tpu.memory_space<vmem>>) dst(%dma_wait3A_157 : memref<10008x128xf32, #tpu.memory_space<vmem_shared>>)
        %eq3A_158 = arith.constant 0 : i32
        %eq3A_159 = arith.cmpi eq, %arg0, %eq3A_158 : i32
        %convert_element_type3A_160 = arith.extui %eq3A_159 : i1 to i32
        %cond3A_161 = arith.constant 0 : i32
        %cond3A_162 = arith.cmpi ne, %convert_element_type3A_160, %cond3A_161 : i32
        scf.if %cond3A_162 {
          %sub3A_163 = arith.constant 1 : i32
          %sub3A_164 = arith.subi %mul3A_79, %sub3A_163 : i32
          %dma_wait3A_165 = arith.constant 0 : i32
          %dma_wait3A_166 = tpu.memref_slice %arg10[%sub3A_164, %dma_wait3A_165] : memref<105x96xi32, #tpu.memory_space<vmem>> -> memref<1x96xi32, #tpu.memory_space<vmem>>
          %dma_wait3A_167 = tpu.memref_squeeze %dma_wait3A_166 : memref<1x96xi32, #tpu.memory_space<vmem>> -> memref<96xi32, #tpu.memory_space<vmem>>
          %dma_wait3A_168 = arith.constant 0 : i32
          %dma_wait3A_169 = arith.constant 0 : i32
          %dma_wait3A_170 = tpu.memref_slice %arg16[%dma_wait3A_168, %dma_wait3A_169] : memref<10008x8xf32, #tpu.memory_space<vmem_shared>> -> memref<10008x8xf32, #tpu.memory_space<vmem_shared>>
          tpu.wait_indirect_dma semaphore(%arg21 : memref<!tpu.dma_semaphore, #tpu.memory_space<semaphore_mem>>) src(%arg14 : memref<96x8xf32, #tpu.memory_space<vmem>>) dst(%dma_wait3A_170 : memref<10008x8xf32, #tpu.memory_space<vmem_shared>>)
        } else {
        }
      } else {
      }
      %add3A_103 = arith.constant 1 : i32
      %add3A_104 = arith.addi %mul3A_79, %add3A_103 : i32
      %dma_start3A_105 = arith.constant 0 : i32
      %dma_start3A_106 = tpu.memref_slice %arg11[%add3A_104, %dma_start3A_105] : memref<105x96xi32, #tpu.memory_space<vmem>> -> memref<1x96xi32, #tpu.memory_space<vmem>>
      %dma_start3A_107 = tpu.memref_squeeze %dma_start3A_106 : memref<1x96xi32, #tpu.memory_space<vmem>> -> memref<96xi32, #tpu.memory_space<vmem>>
      %dma_start3A_108 = arith.constant 0 : i32
      %dma_start3A_109 = tpu.memref_slice %arg2[%mul3A_6, %dma_start3A_108] : memref<20000x128xf32, #tpu.memory_space<hbm>> -> memref<10000x128xf32, #tpu.memory_space<hbm>>
      %dma_start3A_110 = arith.constant 0 : i32
      %dma_start3A_111 = arith.constant 0 : i32
      %dma_start3A_112 = tpu.memref_slice %dma_start3A_109[%dma_start3A_110, %dma_start3A_111] : memref<10000x128xf32, #tpu.memory_space<hbm>> -> memref<10000x128xf32, #tpu.memory_space<hbm>>
      tpu.enqueue_indirect_dma source(%dma_start3A_112 : memref<10000x128xf32, #tpu.memory_space<hbm>>) target(%arg13 : memref<96x128xf32, #tpu.memory_space<vmem>>) offsets(%dma_start3A_107 : memref<96xi32, #tpu.memory_space<vmem>>) semaphore(%arg17 : memref<!tpu.dma_semaphore, #tpu.memory_space<semaphore_mem>>)
      %add3A_113 = arith.constant 1 : i32
      %add3A_114 = arith.addi %mul3A_79, %add3A_113 : i32
      %dma_wait3A_115 = arith.constant 0 : i32
      %dma_wait3A_116 = tpu.memref_slice %arg11[%add3A_114, %dma_wait3A_115] : memref<105x96xi32, #tpu.memory_space<vmem>> -> memref<1x96xi32, #tpu.memory_space<vmem>>
      %dma_wait3A_117 = tpu.memref_squeeze %dma_wait3A_116 : memref<1x96xi32, #tpu.memory_space<vmem>> -> memref<96xi32, #tpu.memory_space<vmem>>
      %dma_wait3A_118 = arith.constant 0 : i32
      %dma_wait3A_119 = tpu.memref_slice %arg2[%mul3A_6, %dma_wait3A_118] : memref<20000x128xf32, #tpu.memory_space<hbm>> -> memref<10000x128xf32, #tpu.memory_space<hbm>>
      %dma_wait3A_120 = arith.constant 0 : i32
      %dma_wait3A_121 = arith.constant 0 : i32
      %dma_wait3A_122 = tpu.memref_slice %dma_wait3A_119[%dma_wait3A_120, %dma_wait3A_121] : memref<10000x128xf32, #tpu.memory_space<hbm>> -> memref<10000x128xf32, #tpu.memory_space<hbm>>
      tpu.wait_indirect_dma semaphore(%arg17 : memref<!tpu.dma_semaphore, #tpu.memory_space<semaphore_mem>>) src(%dma_wait3A_122 : memref<10000x128xf32, #tpu.memory_space<hbm>>) dst(%arg13 : memref<96x128xf32, #tpu.memory_space<vmem>>)
      %add3A_123 = arith.constant 1 : i32
      %add3A_124 = arith.addi %mul3A_79, %add3A_123 : i32
      %dma_start3A_125 = arith.constant 0 : i32
      %dma_start3A_126 = tpu.memref_slice %arg10[%add3A_124, %dma_start3A_125] : memref<105x96xi32, #tpu.memory_space<vmem>> -> memref<1x96xi32, #tpu.memory_space<vmem>>
      %dma_start3A_127 = tpu.memref_squeeze %dma_start3A_126 : memref<1x96xi32, #tpu.memory_space<vmem>> -> memref<96xi32, #tpu.memory_space<vmem>>
      %dma_start3A_128 = arith.constant 0 : i32
      %dma_start3A_129 = arith.constant 0 : i32
      %dma_start3A_130 = tpu.memref_slice %arg15[%dma_start3A_128, %dma_start3A_129] : memref<10008x128xf32, #tpu.memory_space<vmem_shared>> -> memref<10008x128xf32, #tpu.memory_space<vmem_shared>>
      tpu.enqueue_indirect_dma source(%arg13 : memref<96x128xf32, #tpu.memory_space<vmem>>) target(%dma_start3A_130 : memref<10008x128xf32, #tpu.memory_space<vmem_shared>>) offsets(%dma_start3A_127 : memref<96xi32, #tpu.memory_space<vmem>>) semaphore(%arg19 : memref<!tpu.dma_semaphore, #tpu.memory_space<semaphore_mem>>) {add = true}
      %eq3A_131 = arith.constant 0 : i32
      %eq3A_132 = arith.cmpi eq, %arg0, %eq3A_131 : i32
      %convert_element_type3A_133 = arith.extui %eq3A_132 : i1 to i32
      %cond3A_134 = arith.constant 0 : i32
      %cond3A_135 = arith.cmpi ne, %convert_element_type3A_133, %cond3A_134 : i32
      scf.if %cond3A_135 {
        %add3A_151 = arith.constant 1 : i32
        %add3A_152 = arith.addi %mul3A_79, %add3A_151 : i32
        %dma_start3A_153 = arith.constant 0 : i32
        %dma_start3A_154 = tpu.memref_slice %arg10[%add3A_152, %dma_start3A_153] : memref<105x96xi32, #tpu.memory_space<vmem>> -> memref<1x96xi32, #tpu.memory_space<vmem>>
        %dma_start3A_155 = tpu.memref_squeeze %dma_start3A_154 : memref<1x96xi32, #tpu.memory_space<vmem>> -> memref<96xi32, #tpu.memory_space<vmem>>
        %dma_start3A_156 = arith.constant 0 : i32
        %dma_start3A_157 = arith.constant 0 : i32
        %dma_start3A_158 = tpu.memref_slice %arg16[%dma_start3A_156, %dma_start3A_157] : memref<10008x8xf32, #tpu.memory_space<vmem_shared>> -> memref<10008x8xf32, #tpu.memory_space<vmem_shared>>
        tpu.enqueue_indirect_dma source(%arg14 : memref<96x8xf32, #tpu.memory_space<vmem>>) target(%dma_start3A_158 : memref<10008x8xf32, #tpu.memory_space<vmem_shared>>) offsets(%dma_start3A_155 : memref<96xi32, #tpu.memory_space<vmem>>) semaphore(%arg21 : memref<!tpu.dma_semaphore, #tpu.memory_space<semaphore_mem>>) {add = true}
      } else {
      }
      %dma_wait3A_136 = arith.constant 0 : i32
      %dma_wait3A_137 = tpu.memref_slice %arg10[%mul3A_79, %dma_wait3A_136] : memref<105x96xi32, #tpu.memory_space<vmem>> -> memref<1x96xi32, #tpu.memory_space<vmem>>
      %dma_wait3A_138 = tpu.memref_squeeze %dma_wait3A_137 : memref<1x96xi32, #tpu.memory_space<vmem>> -> memref<96xi32, #tpu.memory_space<vmem>>
      %dma_wait3A_139 = arith.constant 0 : i32
      %dma_wait3A_140 = arith.constant 0 : i32
      %dma_wait3A_141 = tpu.memref_slice %arg15[%dma_wait3A_139, %dma_wait3A_140] : memref<10008x128xf32, #tpu.memory_space<vmem_shared>> -> memref<10008x128xf32, #tpu.memory_space<vmem_shared>>
      tpu.wait_indirect_dma semaphore(%arg18 : memref<!tpu.dma_semaphore, #tpu.memory_space<semaphore_mem>>) src(%arg12 : memref<96x128xf32, #tpu.memory_space<vmem>>) dst(%dma_wait3A_141 : memref<10008x128xf32, #tpu.memory_space<vmem_shared>>)
      %eq3A_142 = arith.constant 0 : i32
      %eq3A_143 = arith.cmpi eq, %arg0, %eq3A_142 : i32
      %convert_element_type3A_144 = arith.extui %eq3A_143 : i1 to i32
      %cond3A_145 = arith.constant 0 : i32
      %cond3A_146 = arith.cmpi ne, %convert_element_type3A_144, %cond3A_145 : i32
      scf.if %cond3A_146 {
        %dma_wait3A_151 = arith.constant 0 : i32
        %dma_wait3A_152 = tpu.memref_slice %arg10[%mul3A_79, %dma_wait3A_151] : memref<105x96xi32, #tpu.memory_space<vmem>> -> memref<1x96xi32, #tpu.memory_space<vmem>>
        %dma_wait3A_153 = tpu.memref_squeeze %dma_wait3A_152 : memref<1x96xi32, #tpu.memory_space<vmem>> -> memref<96xi32, #tpu.memory_space<vmem>>
        %dma_wait3A_154 = arith.constant 0 : i32
        %dma_wait3A_155 = arith.constant 0 : i32
        %dma_wait3A_156 = tpu.memref_slice %arg16[%dma_wait3A_154, %dma_wait3A_155] : memref<10008x8xf32, #tpu.memory_space<vmem_shared>> -> memref<10008x8xf32, #tpu.memory_space<vmem_shared>>
        tpu.wait_indirect_dma semaphore(%arg20 : memref<!tpu.dma_semaphore, #tpu.memory_space<semaphore_mem>>) src(%arg14 : memref<96x8xf32, #tpu.memory_space<vmem>>) dst(%dma_wait3A_156 : memref<10008x8xf32, #tpu.memory_space<vmem_shared>>)
      } else {
      }
      %lt3A = arith.constant 51 : i32
      %lt3A_147 = arith.cmpi slt, %add3A_77, %lt3A : i32
      %convert_element_type3A_148 = arith.extui %lt3A_147 : i1 to i32
      %cond3A_149 = arith.constant 0 : i32
      %cond3A_150 = arith.cmpi ne, %convert_element_type3A_148, %cond3A_149 : i32
      scf.if %cond3A_150 {
        %add3A_151 = arith.constant 2 : i32
        %add3A_152 = arith.addi %mul3A_79, %add3A_151 : i32
        %dma_start3A_153 = arith.constant 0 : i32
        %dma_start3A_154 = tpu.memref_slice %arg11[%add3A_152, %dma_start3A_153] : memref<105x96xi32, #tpu.memory_space<vmem>> -> memref<1x96xi32, #tpu.memory_space<vmem>>
        %dma_start3A_155 = tpu.memref_squeeze %dma_start3A_154 : memref<1x96xi32, #tpu.memory_space<vmem>> -> memref<96xi32, #tpu.memory_space<vmem>>
        %dma_start3A_156 = arith.constant 0 : i32
        %dma_start3A_157 = tpu.memref_slice %arg2[%mul3A_6, %dma_start3A_156] : memref<20000x128xf32, #tpu.memory_space<hbm>> -> memref<10000x128xf32, #tpu.memory_space<hbm>>
        %dma_start3A_158 = arith.constant 0 : i32
        %dma_start3A_159 = arith.constant 0 : i32
        %dma_start3A_160 = tpu.memref_slice %dma_start3A_157[%dma_start3A_158, %dma_start3A_159] : memref<10000x128xf32, #tpu.memory_space<hbm>> -> memref<10000x128xf32, #tpu.memory_space<hbm>>
        tpu.enqueue_indirect_dma source(%dma_start3A_160 : memref<10000x128xf32, #tpu.memory_space<hbm>>) target(%arg12 : memref<96x128xf32, #tpu.memory_space<vmem>>) offsets(%dma_start3A_155 : memref<96xi32, #tpu.memory_space<vmem>>) semaphore(%arg17 : memref<!tpu.dma_semaphore, #tpu.memory_space<semaphore_mem>>)
      } else {
      }
    }
    %scan3A_19 = arith.constant 52 : i32
    %dma_wait3A = arith.constant 103 : i32
    %dma_wait3A_20 = arith.constant 0 : i32
    %dma_wait3A_21 = tpu.memref_slice %arg10[%dma_wait3A, %dma_wait3A_20] : memref<105x96xi32, #tpu.memory_space<vmem>> -> memref<1x96xi32, #tpu.memory_space<vmem>>
    %dma_wait3A_22 = tpu.memref_squeeze %dma_wait3A_21 : memref<1x96xi32, #tpu.memory_space<vmem>> -> memref<96xi32, #tpu.memory_space<vmem>>
    %dma_wait3A_23 = arith.constant 0 : i32
    %dma_wait3A_24 = arith.constant 0 : i32
    %dma_wait3A_25 = tpu.memref_slice %arg15[%dma_wait3A_23, %dma_wait3A_24] : memref<10008x128xf32, #tpu.memory_space<vmem_shared>> -> memref<10008x128xf32, #tpu.memory_space<vmem_shared>>
    tpu.wait_indirect_dma semaphore(%arg19 : memref<!tpu.dma_semaphore, #tpu.memory_space<semaphore_mem>>) src(%arg13 : memref<96x128xf32, #tpu.memory_space<vmem>>) dst(%dma_wait3A_25 : memref<10008x128xf32, #tpu.memory_space<vmem_shared>>)
    %eq3A_26 = arith.constant 0 : i32
    %eq3A_27 = arith.cmpi eq, %arg0, %eq3A_26 : i32
    %convert_element_type3A_28 = arith.extui %eq3A_27 : i1 to i32
    %cond3A_29 = arith.constant 0 : i32
    %cond3A_30 = arith.cmpi ne, %convert_element_type3A_28, %cond3A_29 : i32
    scf.if %cond3A_30 {
      %dma_wait3A_74 = arith.constant 103 : i32
      %dma_wait3A_75 = arith.constant 0 : i32
      %dma_wait3A_76 = tpu.memref_slice %arg10[%dma_wait3A_74, %dma_wait3A_75] : memref<105x96xi32, #tpu.memory_space<vmem>> -> memref<1x96xi32, #tpu.memory_space<vmem>>
      %dma_wait3A_77 = tpu.memref_squeeze %dma_wait3A_76 : memref<1x96xi32, #tpu.memory_space<vmem>> -> memref<96xi32, #tpu.memory_space<vmem>>
      %dma_wait3A_78 = arith.constant 0 : i32
      %dma_wait3A_79 = arith.constant 0 : i32
      %dma_wait3A_80 = tpu.memref_slice %arg16[%dma_wait3A_78, %dma_wait3A_79] : memref<10008x8xf32, #tpu.memory_space<vmem_shared>> -> memref<10008x8xf32, #tpu.memory_space<vmem_shared>>
      tpu.wait_indirect_dma semaphore(%arg21 : memref<!tpu.dma_semaphore, #tpu.memory_space<semaphore_mem>>) src(%arg14 : memref<96x8xf32, #tpu.memory_space<vmem>>) dst(%dma_wait3A_80 : memref<10008x8xf32, #tpu.memory_space<vmem_shared>>)
    } else {
    }
    %dma_start3A_31 = arith.constant 104 : i32
    %dma_start3A_32 = arith.constant 0 : i32
    %dma_start3A_33 = tpu.memref_slice %arg11[%dma_start3A_31, %dma_start3A_32] : memref<105x96xi32, #tpu.memory_space<vmem>> -> memref<1x96xi32, #tpu.memory_space<vmem>>
    %dma_start3A_34 = tpu.memref_squeeze %dma_start3A_33 : memref<1x96xi32, #tpu.memory_space<vmem>> -> memref<96xi32, #tpu.memory_space<vmem>>
    %dma_start3A_35 = arith.constant 0 : i32
    %dma_start3A_36 = tpu.memref_slice %arg2[%mul3A_6, %dma_start3A_35] : memref<20000x128xf32, #tpu.memory_space<hbm>> -> memref<10000x128xf32, #tpu.memory_space<hbm>>
    %dma_start3A_37 = arith.constant 0 : i32
    %dma_start3A_38 = arith.constant 0 : i32
    %dma_start3A_39 = tpu.memref_slice %dma_start3A_36[%dma_start3A_37, %dma_start3A_38] : memref<10000x128xf32, #tpu.memory_space<hbm>> -> memref<10000x128xf32, #tpu.memory_space<hbm>>
    tpu.enqueue_indirect_dma source(%dma_start3A_39 : memref<10000x128xf32, #tpu.memory_space<hbm>>) target(%arg12 : memref<96x128xf32, #tpu.memory_space<vmem>>) offsets(%dma_start3A_34 : memref<96xi32, #tpu.memory_space<vmem>>) semaphore(%arg17 : memref<!tpu.dma_semaphore, #tpu.memory_space<semaphore_mem>>)
    %dma_wait3A_40 = arith.constant 104 : i32
    %dma_wait3A_41 = arith.constant 0 : i32
    %dma_wait3A_42 = tpu.memref_slice %arg11[%dma_wait3A_40, %dma_wait3A_41] : memref<105x96xi32, #tpu.memory_space<vmem>> -> memref<1x96xi32, #tpu.memory_space<vmem>>
    %dma_wait3A_43 = tpu.memref_squeeze %dma_wait3A_42 : memref<1x96xi32, #tpu.memory_space<vmem>> -> memref<96xi32, #tpu.memory_space<vmem>>
    %dma_wait3A_44 = arith.constant 0 : i32
    %dma_wait3A_45 = tpu.memref_slice %arg2[%mul3A_6, %dma_wait3A_44] : memref<20000x128xf32, #tpu.memory_space<hbm>> -> memref<10000x128xf32, #tpu.memory_space<hbm>>
    %dma_wait3A_46 = arith.constant 0 : i32
    %dma_wait3A_47 = arith.constant 0 : i32
    %dma_wait3A_48 = tpu.memref_slice %dma_wait3A_45[%dma_wait3A_46, %dma_wait3A_47] : memref<10000x128xf32, #tpu.memory_space<hbm>> -> memref<10000x128xf32, #tpu.memory_space<hbm>>
    tpu.wait_indirect_dma semaphore(%arg17 : memref<!tpu.dma_semaphore, #tpu.memory_space<semaphore_mem>>) src(%dma_wait3A_48 : memref<10000x128xf32, #tpu.memory_space<hbm>>) dst(%arg12 : memref<96x128xf32, #tpu.memory_space<vmem>>)
    %dma_start3A_49 = arith.constant 104 : i32
    %dma_start3A_50 = arith.constant 0 : i32
    %dma_start3A_51 = tpu.memref_slice %arg10[%dma_start3A_49, %dma_start3A_50] : memref<105x96xi32, #tpu.memory_space<vmem>> -> memref<1x96xi32, #tpu.memory_space<vmem>>
    %dma_start3A_52 = tpu.memref_squeeze %dma_start3A_51 : memref<1x96xi32, #tpu.memory_space<vmem>> -> memref<96xi32, #tpu.memory_space<vmem>>
    %dma_start3A_53 = arith.constant 0 : i32
    %dma_start3A_54 = arith.constant 0 : i32
    %dma_start3A_55 = tpu.memref_slice %arg15[%dma_start3A_53, %dma_start3A_54] : memref<10008x128xf32, #tpu.memory_space<vmem_shared>> -> memref<10008x128xf32, #tpu.memory_space<vmem_shared>>
    tpu.enqueue_indirect_dma source(%arg12 : memref<96x128xf32, #tpu.memory_space<vmem>>) target(%dma_start3A_55 : memref<10008x128xf32, #tpu.memory_space<vmem_shared>>) offsets(%dma_start3A_52 : memref<96xi32, #tpu.memory_space<vmem>>) semaphore(%arg18 : memref<!tpu.dma_semaphore, #tpu.memory_space<semaphore_mem>>) {add = true}
    %dma_wait3A_56 = arith.constant 104 : i32
    %dma_wait3A_57 = arith.constant 0 : i32
    %dma_wait3A_58 = tpu.memref_slice %arg10[%dma_wait3A_56, %dma_wait3A_57] : memref<105x96xi32, #tpu.memory_space<vmem>> -> memref<1x96xi32, #tpu.memory_space<vmem>>
    %dma_wait3A_59 = tpu.memref_squeeze %dma_wait3A_58 : memref<1x96xi32, #tpu.memory_space<vmem>> -> memref<96xi32, #tpu.memory_space<vmem>>
    %dma_wait3A_60 = arith.constant 0 : i32
    %dma_wait3A_61 = arith.constant 0 : i32
    %dma_wait3A_62 = tpu.memref_slice %arg15[%dma_wait3A_60, %dma_wait3A_61] : memref<10008x128xf32, #tpu.memory_space<vmem_shared>> -> memref<10008x128xf32, #tpu.memory_space<vmem_shared>>
    tpu.wait_indirect_dma semaphore(%arg18 : memref<!tpu.dma_semaphore, #tpu.memory_space<semaphore_mem>>) src(%arg12 : memref<96x128xf32, #tpu.memory_space<vmem>>) dst(%dma_wait3A_62 : memref<10008x128xf32, #tpu.memory_space<vmem_shared>>)
    %eq3A_63 = arith.constant 0 : i32
    %eq3A_64 = arith.cmpi eq, %arg0, %eq3A_63 : i32
    %convert_element_type3A_65 = arith.extui %eq3A_64 : i1 to i32
    %cond3A_66 = arith.constant 0 : i32
    %cond3A_67 = arith.cmpi ne, %convert_element_type3A_65, %cond3A_66 : i32
    scf.if %cond3A_67 {
      %dma_start3A_74 = arith.constant 104 : i32
      %dma_start3A_75 = arith.constant 0 : i32
      %dma_start3A_76 = tpu.memref_slice %arg10[%dma_start3A_74, %dma_start3A_75] : memref<105x96xi32, #tpu.memory_space<vmem>> -> memref<1x96xi32, #tpu.memory_space<vmem>>
      %dma_start3A_77 = tpu.memref_squeeze %dma_start3A_76 : memref<1x96xi32, #tpu.memory_space<vmem>> -> memref<96xi32, #tpu.memory_space<vmem>>
      %dma_start3A_78 = arith.constant 0 : i32
      %dma_start3A_79 = arith.constant 0 : i32
      %dma_start3A_80 = tpu.memref_slice %arg16[%dma_start3A_78, %dma_start3A_79] : memref<10008x8xf32, #tpu.memory_space<vmem_shared>> -> memref<10008x8xf32, #tpu.memory_space<vmem_shared>>
      tpu.enqueue_indirect_dma source(%arg14 : memref<96x8xf32, #tpu.memory_space<vmem>>) target(%dma_start3A_80 : memref<10008x8xf32, #tpu.memory_space<vmem_shared>>) offsets(%dma_start3A_77 : memref<96xi32, #tpu.memory_space<vmem>>) semaphore(%arg20 : memref<!tpu.dma_semaphore, #tpu.memory_space<semaphore_mem>>) {add = true}
      %dma_wait3A_81 = arith.constant 104 : i32
      %dma_wait3A_82 = arith.constant 0 : i32
      %dma_wait3A_83 = tpu.memref_slice %arg10[%dma_wait3A_81, %dma_wait3A_82] : memref<105x96xi32, #tpu.memory_space<vmem>> -> memref<1x96xi32, #tpu.memory_space<vmem>>
      %dma_wait3A_84 = tpu.memref_squeeze %dma_wait3A_83 : memref<1x96xi32, #tpu.memory_space<vmem>> -> memref<96xi32, #tpu.memory_space<vmem>>
      %dma_wait3A_85 = arith.constant 0 : i32
      %dma_wait3A_86 = arith.constant 0 : i32
      %dma_wait3A_87 = tpu.memref_slice %arg16[%dma_wait3A_85, %dma_wait3A_86] : memref<10008x8xf32, #tpu.memory_space<vmem_shared>> -> memref<10008x8xf32, #tpu.memory_space<vmem_shared>>
      tpu.wait_indirect_dma semaphore(%arg20 : memref<!tpu.dma_semaphore, #tpu.memory_space<semaphore_mem>>) src(%arg14 : memref<96x8xf32, #tpu.memory_space<vmem>>) dst(%dma_wait3A_87 : memref<10008x8xf32, #tpu.memory_space<vmem_shared>>)
    } else {
    }
    %barrier3A_68 = arith.constant 0 : index
    tpu.barrier barrier_id(%barrier3A_68)
    %scan3A_69 = arith.constant 0 : i32
    %scan3A_70 = arith.constant 16 : i32
    %scan3A_71 = arith.addi %scan3A_69, %scan3A_70 : i32
    %scan3A_72 = arith.constant 1 : i32
    scf.for %scan3A_74 = %scan3A_69 to %scan3A_71 step %scan3A_72  : i32 {
      %mul3A_75 = arith.constant 1 : i32
      %mul3A_76 = arith.muli %scan3A_74, %mul3A_75 : i32
      %add3A = arith.constant 0 : i32
      %add3A_77 = arith.addi %add3A, %mul3A_76 : i32
      %mul3A_78 = arith.constant 16 : i32
      %mul3A_79 = arith.muli %add3A_77, %mul3A_78 : i32
      %add3A_80 = arith.addi %arg1, %mul3A_79 : i32
      %lt3A = arith.constant 250 : i32
      %lt3A_81 = arith.cmpi slt, %add3A_80, %lt3A : i32
      %convert_element_type3A_82 = arith.extui %lt3A_81 : i1 to i32
      %cond3A_83 = arith.constant 0 : i32
      %cond3A_84 = arith.cmpi ne, %convert_element_type3A_82, %cond3A_83 : i32
      scf.if %cond3A_84 {
        %mul3A_85 = arith.constant 40 : i32
        %mul3A_86 = arith.muli %add3A_80, %mul3A_85 : i32
        "tpu.region"() ({
          %run_scoped3A = tpu.sem_alloc : memref<!tpu.dma_semaphore, #tpu.memory_space<semaphore_mem>>
          %dma_start3A_95 = arith.constant 0 : i32
          %dma_start3A_96 = arith.constant 0 : i32
          %dma_start3A_97 = tpu.memref_slice %arg12[%dma_start3A_95, %dma_start3A_96] : memref<96x128xf32, #tpu.memory_space<vmem>> -> memref<40x128xf32, #tpu.memory_space<vmem>>
          %dma_start3A_98 = arith.constant 0 : i32
          %dma_start3A_99 = tpu.memref_slice %arg15[%mul3A_86, %dma_start3A_98] : memref<10008x128xf32, #tpu.memory_space<vmem_shared>> -> memref<40x128xf32, #tpu.memory_space<vmem_shared>>
          %dma_start3A_100 = arith.constant 0 : i32
          %dma_start3A_101 = arith.constant 0 : i32
          %dma_start3A_102 = tpu.memref_slice %arg12[%dma_start3A_100, %dma_start3A_101] : memref<96x128xf32, #tpu.memory_space<vmem>> -> memref<40x128xf32, #tpu.memory_space<vmem>>
          %dma_start3A_103 = arith.constant 0 : i32
          %dma_start3A_104 = tpu.memref_slice %arg15[%mul3A_86, %dma_start3A_103] : memref<10008x128xf32, #tpu.memory_space<vmem_shared>> -> memref<40x128xf32, #tpu.memory_space<vmem_shared>>
          tpu.enqueue_dma source(%dma_start3A_104 : memref<40x128xf32, #tpu.memory_space<vmem_shared>>) target(%dma_start3A_102 : memref<40x128xf32, #tpu.memory_space<vmem>>) target_semaphore(%run_scoped3A : memref<!tpu.dma_semaphore, #tpu.memory_space<semaphore_mem>>)
          %dma_wait3A_105 = arith.constant 0 : i32
          %dma_wait3A_106 = arith.constant 0 : i32
          %dma_wait3A_107 = tpu.memref_slice %arg12[%dma_wait3A_105, %dma_wait3A_106] : memref<96x128xf32, #tpu.memory_space<vmem>> -> memref<40x128xf32, #tpu.memory_space<vmem>>
          %dma_wait3A_108 = arith.constant 0 : i32
          %dma_wait3A_109 = tpu.memref_slice %arg15[%mul3A_86, %dma_wait3A_108] : memref<10008x128xf32, #tpu.memory_space<vmem_shared>> -> memref<40x128xf32, #tpu.memory_space<vmem_shared>>
          %dma_wait3A_110 = arith.constant 0 : i32
          %dma_wait3A_111 = arith.constant 0 : i32
          %dma_wait3A_112 = tpu.memref_slice %arg12[%dma_wait3A_110, %dma_wait3A_111] : memref<96x128xf32, #tpu.memory_space<vmem>> -> memref<40x128xf32, #tpu.memory_space<vmem>>
          %dma_wait3A_113 = arith.constant 0 : i32
          %dma_wait3A_114 = tpu.memref_slice %arg15[%mul3A_86, %dma_wait3A_113] : memref<10008x128xf32, #tpu.memory_space<vmem_shared>> -> memref<40x128xf32, #tpu.memory_space<vmem_shared>>
          tpu.wait_dma2 semaphore(%run_scoped3A : memref<!tpu.dma_semaphore, #tpu.memory_space<semaphore_mem>>) src(%dma_wait3A_114 : memref<40x128xf32, #tpu.memory_space<vmem_shared>>) dst(%dma_wait3A_112 : memref<40x128xf32, #tpu.memory_space<vmem>>)
          tpu.yield
        }) : () -> ()
        %mul3A_87 = arith.constant 10000 : i32
        %mul3A_88 = arith.muli %arg0, %mul3A_87 : i32
        %add3A_89 = arith.addi %mul3A_88, %mul3A_86 : i32
        "tpu.region"() ({
          %run_scoped3A = tpu.sem_alloc : memref<!tpu.dma_semaphore, #tpu.memory_space<semaphore_mem>>
          %dma_start3A_95 = arith.constant 0 : i32
          %dma_start3A_96 = arith.constant 0 : i32
          %dma_start3A_97 = tpu.memref_slice %arg12[%dma_start3A_95, %dma_start3A_96] : memref<96x128xf32, #tpu.memory_space<vmem>> -> memref<40x128xf32, #tpu.memory_space<vmem>>
          %dma_start3A_98 = arith.constant 0 : i32
          %dma_start3A_99 = tpu.memref_slice %arg8[%add3A_89, %dma_start3A_98] : memref<20000x128xf32, #tpu.memory_space<hbm>> -> memref<40x128xf32, #tpu.memory_space<hbm>>
          %dma_start3A_100 = arith.constant 0 : i32
          %dma_start3A_101 = tpu.memref_slice %arg8[%add3A_89, %dma_start3A_100] : memref<20000x128xf32, #tpu.memory_space<hbm>> -> memref<40x128xf32, #tpu.memory_space<hbm>>
          %dma_start3A_102 = arith.constant 0 : i32
          %dma_start3A_103 = arith.constant 0 : i32
          %dma_start3A_104 = tpu.memref_slice %arg12[%dma_start3A_102, %dma_start3A_103] : memref<96x128xf32, #tpu.memory_space<vmem>> -> memref<40x128xf32, #tpu.memory_space<vmem>>
          tpu.enqueue_dma source(%dma_start3A_104 : memref<40x128xf32, #tpu.memory_space<vmem>>) target(%dma_start3A_101 : memref<40x128xf32, #tpu.memory_space<hbm>>) target_semaphore(%run_scoped3A : memref<!tpu.dma_semaphore, #tpu.memory_space<semaphore_mem>>)
          %dma_wait3A_105 = arith.constant 0 : i32
          %dma_wait3A_106 = arith.constant 0 : i32
          %dma_wait3A_107 = tpu.memref_slice %arg12[%dma_wait3A_105, %dma_wait3A_106] : memref<96x128xf32, #tpu.memory_space<vmem>> -> memref<40x128xf32, #tpu.memory_space<vmem>>
          %dma_wait3A_108 = arith.constant 0 : i32
          %dma_wait3A_109 = tpu.memref_slice %arg8[%add3A_89, %dma_wait3A_108] : memref<20000x128xf32, #tpu.memory_space<hbm>> -> memref<40x128xf32, #tpu.memory_space<hbm>>
          %dma_wait3A_110 = arith.constant 0 : i32
          %dma_wait3A_111 = tpu.memref_slice %arg8[%add3A_89, %dma_wait3A_110] : memref<20000x128xf32, #tpu.memory_space<hbm>> -> memref<40x128xf32, #tpu.memory_space<hbm>>
          %dma_wait3A_112 = arith.constant 0 : i32
          %dma_wait3A_113 = arith.constant 0 : i32
          %dma_wait3A_114 = tpu.memref_slice %arg12[%dma_wait3A_112, %dma_wait3A_113] : memref<96x128xf32, #tpu.memory_space<vmem>> -> memref<40x128xf32, #tpu.memory_space<vmem>>
          tpu.wait_dma2 semaphore(%run_scoped3A : memref<!tpu.dma_semaphore, #tpu.memory_space<semaphore_mem>>) src(%dma_wait3A_114 : memref<40x128xf32, #tpu.memory_space<vmem>>) dst(%dma_wait3A_111 : memref<40x128xf32, #tpu.memory_space<hbm>>)
          tpu.yield
        }) : () -> ()
        %eq3A_90 = arith.constant 0 : i32
        %eq3A_91 = arith.cmpi eq, %arg0, %eq3A_90 : i32
        %convert_element_type3A_92 = arith.extui %eq3A_91 : i1 to i32
        %cond3A_93 = arith.constant 0 : i32
        %cond3A_94 = arith.cmpi ne, %convert_element_type3A_92, %cond3A_93 : i32
        scf.if %cond3A_94 {
          "tpu.region"() ({
            %run_scoped3A = tpu.sem_alloc : memref<!tpu.dma_semaphore, #tpu.memory_space<semaphore_mem>>
            %dma_start3A_95 = arith.constant 0 : i32
            %dma_start3A_96 = arith.constant 0 : i32
            %dma_start3A_97 = tpu.memref_slice %arg14[%dma_start3A_95, %dma_start3A_96] : memref<96x8xf32, #tpu.memory_space<vmem>> -> memref<40x8xf32, #tpu.memory_space<vmem>>
            %dma_start3A_98 = arith.constant 0 : i32
            %dma_start3A_99 = tpu.memref_slice %arg16[%mul3A_86, %dma_start3A_98] : memref<10008x8xf32, #tpu.memory_space<vmem_shared>> -> memref<40x8xf32, #tpu.memory_space<vmem_shared>>
            %dma_start3A_100 = arith.constant 0 : i32
            %dma_start3A_101 = arith.constant 0 : i32
            %dma_start3A_102 = tpu.memref_slice %arg14[%dma_start3A_100, %dma_start3A_101] : memref<96x8xf32, #tpu.memory_space<vmem>> -> memref<40x8xf32, #tpu.memory_space<vmem>>
            %dma_start3A_103 = arith.constant 0 : i32
            %dma_start3A_104 = tpu.memref_slice %arg16[%mul3A_86, %dma_start3A_103] : memref<10008x8xf32, #tpu.memory_space<vmem_shared>> -> memref<40x8xf32, #tpu.memory_space<vmem_shared>>
            tpu.enqueue_dma source(%dma_start3A_104 : memref<40x8xf32, #tpu.memory_space<vmem_shared>>) target(%dma_start3A_102 : memref<40x8xf32, #tpu.memory_space<vmem>>) target_semaphore(%run_scoped3A : memref<!tpu.dma_semaphore, #tpu.memory_space<semaphore_mem>>)
            %dma_wait3A_105 = arith.constant 0 : i32
            %dma_wait3A_106 = arith.constant 0 : i32
            %dma_wait3A_107 = tpu.memref_slice %arg14[%dma_wait3A_105, %dma_wait3A_106] : memref<96x8xf32, #tpu.memory_space<vmem>> -> memref<40x8xf32, #tpu.memory_space<vmem>>
            %dma_wait3A_108 = arith.constant 0 : i32
            %dma_wait3A_109 = tpu.memref_slice %arg16[%mul3A_86, %dma_wait3A_108] : memref<10008x8xf32, #tpu.memory_space<vmem_shared>> -> memref<40x8xf32, #tpu.memory_space<vmem_shared>>
            %dma_wait3A_110 = arith.constant 0 : i32
            %dma_wait3A_111 = arith.constant 0 : i32
            %dma_wait3A_112 = tpu.memref_slice %arg14[%dma_wait3A_110, %dma_wait3A_111] : memref<96x8xf32, #tpu.memory_space<vmem>> -> memref<40x8xf32, #tpu.memory_space<vmem>>
            %dma_wait3A_113 = arith.constant 0 : i32
            %dma_wait3A_114 = tpu.memref_slice %arg16[%mul3A_86, %dma_wait3A_113] : memref<10008x8xf32, #tpu.memory_space<vmem_shared>> -> memref<40x8xf32, #tpu.memory_space<vmem_shared>>
            tpu.wait_dma2 semaphore(%run_scoped3A : memref<!tpu.dma_semaphore, #tpu.memory_space<semaphore_mem>>) src(%dma_wait3A_114 : memref<40x8xf32, #tpu.memory_space<vmem_shared>>) dst(%dma_wait3A_112 : memref<40x8xf32, #tpu.memory_space<vmem>>)
            tpu.yield
          }) : () -> ()
          "tpu.region"() ({
            %run_scoped3A = tpu.sem_alloc : memref<!tpu.dma_semaphore, #tpu.memory_space<semaphore_mem>>
            %dma_start3A_95 = arith.constant 0 : i32
            %dma_start3A_96 = arith.constant 0 : i32
            %dma_start3A_97 = tpu.memref_slice %arg14[%dma_start3A_95, %dma_start3A_96] : memref<96x8xf32, #tpu.memory_space<vmem>> -> memref<40x8xf32, #tpu.memory_space<vmem>>
            %dma_start3A_98 = arith.constant 0 : i32
            %dma_start3A_99 = tpu.memref_slice %arg9[%mul3A_86, %dma_start3A_98] : memref<10000x8xf32, #tpu.memory_space<hbm>> -> memref<40x8xf32, #tpu.memory_space<hbm>>
            %dma_start3A_100 = arith.constant 0 : i32
            %dma_start3A_101 = tpu.memref_slice %arg9[%mul3A_86, %dma_start3A_100] : memref<10000x8xf32, #tpu.memory_space<hbm>> -> memref<40x8xf32, #tpu.memory_space<hbm>>
            %dma_start3A_102 = arith.constant 0 : i32
            %dma_start3A_103 = arith.constant 0 : i32
            %dma_start3A_104 = tpu.memref_slice %arg14[%dma_start3A_102, %dma_start3A_103] : memref<96x8xf32, #tpu.memory_space<vmem>> -> memref<40x8xf32, #tpu.memory_space<vmem>>
            tpu.enqueue_dma source(%dma_start3A_104 : memref<40x8xf32, #tpu.memory_space<vmem>>) target(%dma_start3A_101 : memref<40x8xf32, #tpu.memory_space<hbm>>) target_semaphore(%run_scoped3A : memref<!tpu.dma_semaphore, #tpu.memory_space<semaphore_mem>>)
            %dma_wait3A_105 = arith.constant 0 : i32
            %dma_wait3A_106 = arith.constant 0 : i32
            %dma_wait3A_107 = tpu.memref_slice %arg14[%dma_wait3A_105, %dma_wait3A_106] : memref<96x8xf32, #tpu.memory_space<vmem>> -> memref<40x8xf32, #tpu.memory_space<vmem>>
            %dma_wait3A_108 = arith.constant 0 : i32
            %dma_wait3A_109 = tpu.memref_slice %arg9[%mul3A_86, %dma_wait3A_108] : memref<10000x8xf32, #tpu.memory_space<hbm>> -> memref<40x8xf32, #tpu.memory_space<hbm>>
            %dma_wait3A_110 = arith.constant 0 : i32
            %dma_wait3A_111 = tpu.memref_slice %arg9[%mul3A_86, %dma_wait3A_110] : memref<10000x8xf32, #tpu.memory_space<hbm>> -> memref<40x8xf32, #tpu.memory_space<hbm>>
            %dma_wait3A_112 = arith.constant 0 : i32
            %dma_wait3A_113 = arith.constant 0 : i32
            %dma_wait3A_114 = tpu.memref_slice %arg14[%dma_wait3A_112, %dma_wait3A_113] : memref<96x8xf32, #tpu.memory_space<vmem>> -> memref<40x8xf32, #tpu.memory_space<vmem>>
            tpu.wait_dma2 semaphore(%run_scoped3A : memref<!tpu.dma_semaphore, #tpu.memory_space<semaphore_mem>>) src(%dma_wait3A_114 : memref<40x8xf32, #tpu.memory_space<vmem>>) dst(%dma_wait3A_111 : memref<40x8xf32, #tpu.memory_space<hbm>>)
            tpu.yield
          }) : () -> ()
        } else {
        }
      } else {
      }
    }
    %scan3A_73 = arith.constant 16 : i32
    return
  }
}

module attributes {stable_mosaic.version = 14 : i64} {
  func.func @mm(%arg0: i32, %arg1: memref<1000x256xf32, #tpu.memory_space<vmem>>, %arg2: memref<256x256xf32, #tpu.memory_space<vmem>>, %arg3: memref<1000x128xf32, #tpu.memory_space<vmem>>, %arg4: memref<1000x128xf32, #tpu.memory_space<vmem>>, %arg5: memref<1000x8xf32, #tpu.memory_space<vmem>>, %arg6: memref<256x256xf32, #tpu.memory_space<vmem>>, %arg7: memref<1000x256xf32, #tpu.memory_space<vmem>>) attributes {dimension_semantics = [#tpu.dimension_semantics<arbitrary>], iteration_bounds = array<i64: 10>, scalar_prefetch = 0 : i64, scratch_operands = 0 : i64, tpu.core_type = #tpu.core_type<tc>, window_params = [{transform_indices = @transform_0, window_bounds = array<i64: 1000, 256>}, {pipeline_mode = #tpu.pipeline_mode<synchronous>, transform_indices = @transform_1, window_bounds = array<i64: 256, 256>}, {transform_indices = @transform_2, window_bounds = array<i64: 1000, 128>}, {transform_indices = @transform_3, window_bounds = array<i64: 1000, 128>}, {transform_indices = @transform_4, window_bounds = array<i64: 1000, 8>}, {pipeline_mode = #tpu.pipeline_mode<synchronous>, transform_indices = @transform_5, window_bounds = array<i64: 256, 256>}, {transform_indices = @transform_6, window_bounds = array<i64: 1000, 256>}]} {
    %get3A = arith.constant 0 : index
    %get3A_0 = arith.constant 0 : index
    %get3A_1 = vector.load %arg1[%get3A, %get3A_0] : memref<1000x256xf32, #tpu.memory_space<vmem>>, vector<1000x256xf32>
    %get3A_2 = arith.constant 0 : index
    %get3A_3 = arith.constant 0 : index
    %get3A_4 = vector.load %arg2[%get3A_2, %get3A_3] : memref<256x256xf32, #tpu.memory_space<vmem>>, vector<256x256xf32>
    %dot_general3A = arith.constant dense<0.000000e+00> : vector<1000x256xf32>
    %dot_general3A_5 = tpu.matmul %get3A_1, %get3A_4, %dot_general3A {dimension_numbers = #tpu.dot_dimension_numbers<[1], [0], [0], [1], [0, 0, 1, 1], [], []>, transpose_lhs_hint = false} : vector<1000x256xf32>, vector<256x256xf32>, vector<1000x256xf32> -> vector<1000x256xf32>
    %max3A = arith.constant 0.000000e+00 : f32
    %max3A_6 = vector.broadcast %max3A : f32 to vector<1000x256xf32>
    %max3A_7 = arith.maximumf %dot_general3A_5, %max3A_6 : vector<1000x256xf32>
    %get3A_8 = arith.constant 0 : index
    %get3A_9 = arith.constant 0 : index
    %get3A_10 = vector.load %arg3[%get3A_8, %get3A_9] : memref<1000x128xf32, #tpu.memory_space<vmem>>, vector<1000x128xf32>
    %get3A_11 = arith.constant 0 : index
    %get3A_12 = arith.constant 0 : index
    %get3A_13 = vector.load %arg6[%get3A_11, %get3A_12] : memref<256x256xf32, #tpu.memory_space<vmem>>, vector<128x256xf32>
    %dot_general3A_14 = arith.constant dense<0.000000e+00> : vector<1000x256xf32>
    %dot_general3A_15 = tpu.matmul %get3A_10, %get3A_13, %dot_general3A_14 {dimension_numbers = #tpu.dot_dimension_numbers<[1], [0], [0], [1], [0, 0, 1, 1], [], []>, transpose_lhs_hint = false} : vector<1000x128xf32>, vector<128x256xf32>, vector<1000x256xf32> -> vector<1000x256xf32>
    %get3A_16 = arith.constant 0 : index
    %get3A_17 = arith.constant 0 : index
    %get3A_18 = vector.load %arg4[%get3A_16, %get3A_17] : memref<1000x128xf32, #tpu.memory_space<vmem>>, vector<1000x128xf32>
    %get3A_19 = arith.constant 128 : index
    %get3A_20 = arith.constant 0 : index
    %get3A_21 = vector.load %arg6[%get3A_19, %get3A_20] : memref<256x256xf32, #tpu.memory_space<vmem>>, vector<128x256xf32>
    %dot_general3A_22 = arith.constant dense<0.000000e+00> : vector<1000x256xf32>
    %dot_general3A_23 = tpu.matmul %get3A_18, %get3A_21, %dot_general3A_22 {dimension_numbers = #tpu.dot_dimension_numbers<[1], [0], [0], [1], [0, 0, 1, 1], [], []>, transpose_lhs_hint = false} : vector<1000x128xf32>, vector<128x256xf32>, vector<1000x256xf32> -> vector<1000x256xf32>
    %get3A_24 = arith.constant 0 : index
    %get3A_25 = arith.constant 0 : index
    %get3A_26 = vector.load %arg5[%get3A_24, %get3A_25] : memref<1000x8xf32, #tpu.memory_space<vmem>>, vector<1000x1xf32>
    %get3A_27 = vector.shape_cast %get3A_26 : vector<1000x1xf32> to vector<1000xf32>
    %max3A_28 = arith.constant 1.000000e-07 : f32
    %max3A_29 = vector.broadcast %max3A_28 : f32 to vector<1000xf32>
    %max3A_30 = arith.maximumf %get3A_27, %max3A_29 : vector<1000xf32>
    %div3A = arith.constant 1.000000e+00 : f32
    %div3A_31 = vector.broadcast %div3A : f32 to vector<1000xf32>
    %div3A_32 = arith.divf %div3A_31, %max3A_30 : vector<1000xf32>
    %add3A = arith.addf %dot_general3A_15, %dot_general3A_23 : vector<1000x256xf32>
    %broadcast_in_dim3A = vector.shape_cast %div3A_32 : vector<1000xf32> to vector<1000x1xf32>
    %mul3A = vector.broadcast %broadcast_in_dim3A : vector<1000x1xf32> to vector<1000x256xf32>
    %mul3A_33 = arith.mulf %add3A, %mul3A : vector<1000x256xf32>
    %max3A_34 = arith.constant 0.000000e+00 : f32
    %max3A_35 = vector.broadcast %max3A_34 : f32 to vector<1000x256xf32>
    %max3A_36 = arith.maximumf %mul3A_33, %max3A_35 : vector<1000x256xf32>
    %add3A_37 = arith.addf %max3A_7, %max3A_36 : vector<1000x256xf32>
    %swap3A = arith.constant 0 : index
    %swap3A_38 = arith.constant 0 : index
    %swap3A_39 = vector.load %arg7[%swap3A, %swap3A_38] : memref<1000x256xf32, #tpu.memory_space<vmem>>, vector<1000x256xf32>
    tpu.vector_store %arg7[%swap3A, %swap3A_38], %add3A_37 {strides = array<i32>} : memref<1000x256xf32, #tpu.memory_space<vmem>>, vector<1000x256xf32>,
    return
  }
  func.func @transform_0(%arg0: i32) -> (i32, i32) {
    %c0_i32 = arith.constant 0 : i32
    %c0_i32_0 = arith.constant 0 : i32
    return %arg0, %c0_i32 : i32, i32
  }
  func.func @transform_1(%arg0: i32) -> (i32, i32) {
    %c0_i32 = arith.constant 0 : i32
    %c0_i32_0 = arith.constant 0 : i32
    %c0_i32_1 = arith.constant 0 : i32
    return %c0_i32, %c0_i32_0 : i32, i32
  }
  func.func @transform_2(%arg0: i32) -> (i32, i32) {
    %c0_i32 = arith.constant 0 : i32
    %c0_i32_0 = arith.constant 0 : i32
    return %arg0, %c0_i32 : i32, i32
  }
  func.func @transform_3(%arg0: i32) -> (i32, i32) {
    %add3A = arith.constant 10 : i32
    %add3A_0 = arith.addi %add3A, %arg0 : i32
    %c0_i32 = arith.constant 0 : i32
    %c0_i32_1 = arith.constant 0 : i32
    return %add3A_0, %c0_i32 : i32, i32
  }
  func.func @transform_4(%arg0: i32) -> (i32, i32) {
    %c0_i32 = arith.constant 0 : i32
    %c0_i32_0 = arith.constant 0 : i32
    return %arg0, %c0_i32 : i32, i32
  }
  func.func @transform_5(%arg0: i32) -> (i32, i32) {
    %c0_i32 = arith.constant 0 : i32
    %c0_i32_0 = arith.constant 0 : i32
    %c0_i32_1 = arith.constant 0 : i32
    return %c0_i32, %c0_i32_0 : i32, i32
  }
  func.func @transform_6(%arg0: i32) -> (i32, i32) {
    %c0_i32 = arith.constant 0 : i32
    %c0_i32_0 = arith.constant 0 : i32
    return %arg0, %c0_i32 : i32, i32
  }
}

</mosaic_0001>

<sc_bundles>
// kernel: kernel.4.cloned.1.call-start
scs
__scs_entry_jumppad:
0x0: {  	(pc) =	sbr.rel $0x88, $3  }
0x1: {  	(tag) =	ssettag $0x0;
	lr =	simm.s32 $0x1  }
0x2: {  	[smem:$0x3F9C] =	sst lr;
	_ =	strace $0xD0000000  }
0x3: {  	_ = 	snop  }
0x4: {  	_ = 	snop  }
0x5: {  	_ = 	snop  }
0x6: {  	_ = 	snop  }
0x7: {  	_ = 	snop  }
__scs_overlays_trampoline_lowered:
0x8: {  	[smem:$0x3FAB] =	sst s0  }
0x9: {  	[smem:$0x3FAC] =	sst s1  }
0xa: {  	[smem:$0x3FAD] =	sst s2  }
0xb: {  	[smem:$0x3FAE] =	sst s3  }
0xc: {  	[smem:$0x3FAF] =	sst s4  }
0xd: {  	[smem:$0x3FB0] =	sst s5  }
0xe: {  	[smem:$0x3FB1] =	sst s6  }
0xf: {  	[smem:$0x3FB2] =	sst s7  }
0x10: {  	[smem:$0x3FB3] =	sst s8  }
0x11: {  	[smem:$0x3FB4] =	sst s9;
	s0 =	simm.s32 @!p0 $0x0  }
0x12: {  	s1 =	sld [smem:$0x3F9A];
	s0 =	simm.s32 @p0 $0x1  }
0x13: {  	[smem:$0x3FB5] =	sst s0;
	s0 =	simm.s32 @!p1 $0x0  }
0x14: {  	s2 =	sld [smem:$0x3F99];
	s0 =	simm.s32 @p1 $0x1  }
0x15: {  	[smem:$0x3FB6] =	sst s0;
	s0 =	simm.s32 @!p2 $0x0  }
0x16: {  	s3 =	sld [smem:$0x3FDB];
	s0 =	simm.s32 @p2 $0x1  }
0x17: {  	s4 =	simm.s32 $0x1BF5;
	[smem:$0x3FB8] =	sst s0  }
0x18: {  	s0 =	sld [smem:$0x3F9B];
	_ =	swait.ge [sflag:s4], $0x0  }
0x19: {  	s7 =	sld [smem:$0x3F9C]  }
0x1a: {  	s8 =	sadd.s32 $0xFFFFE003, lr  }
0x1b: {  	s9 =	sadd.s32 $0xFFFFFEF7, lr;
	s5 =	simm.s32 $0xFFFFFFFF;
	p2 =	slt.u32 s8, $0xFFFFF086  }
0x1c: {  	p1 =	slt.u32 s9, $0xF7A;
	s5 =	simm.s32 @!p2 $0x0  }
0x1d: {  	s5 =	simm.s32 @p1 $0x1;
	p0 =	seq.s32 s7, s2  }
0x1e: {  	s7 =	smul.u32 @!p0 $0xF7A, s2;
	p2 =	seq.s32 @!p0 s5, $0x0  }
0x1f: {  	s9 =	smul.u32 $0xF7A, s1;
	s8 =	simm.s32 @!p0 $0x1BF5;
	p2 =	por !p2, p0  }
0x20: {  	[sflag:s8] =	ssyncset.s32 @!p0 $0xFFFFF086;
	s6 =	sadd.s32 @!p0 s3, s7;
	s7 =	simm.s32 @!p0 $0x108  }
0x21: {  	s3 =	sadd.s32 s3, s9;
	s6 =	sadd.s32 @!p0 $0x88, s6;
	s7 =	simm.s32 @p2 $0x1082  }
0x22: {  	[simem:s7], [sflag:s8] =	dma.local @!p0 [hbm:s6], $0xF7A  }
0x23: {  	s9 =	sor.u32 $0xD0000000, s2;
	s6 =	simm.s32 $0x108;
	_ =	swait.ge @!p0 [sflag:s8], $0x0  }
0x24: {  	s3 =	sadd.s32 $0x88, s3;
	s6 =	simm.s32 @!p1 $0x1082;
	[sflag:s4] =	ssyncset.s32 $0xFFFFF086  }
0x25: {  	[simem:s6], [sflag:s4] =	dma.local [hbm:s3], $0xF7A  }
0x26: {  	[smem:$0x3F9C] =	sst s1;
	(tag) =	ssettag s2;
	_ =	strace s9  }
0x27: {  	s1 =	sld [smem:$0x3FAC]  }
0x28: {  	s2 =	sld [smem:$0x3FAD]  }
0x29: {  	s4 =	sld [smem:$0x3FAF]  }
0x2a: {  	p0 =	seq.s32 s5, $0x0;
	s5 =	sld [smem:$0x3FB0]  }
0x2b: {  	s6 =	sld [smem:$0x3FB1]  }
0x2c: {  	s7 =	sld [smem:$0x3FB2]  }
0x2d: {  	s3 =	simm.s32 $0x108;
	s8 =	sld [smem:$0x3FB3]  }
0x2e: {  	s3 =	simm.s32 @!p0 $0x1082;
	s9 =	sld [smem:$0x3FB4]  }
0x2f: {  	lr =	sadd.s32 s0, s3;
	s0 =	sld [smem:$0x3FAB]  }
0x30: {  	s3 =	sld [smem:$0x3FAE]  }
0x31: {  	[smem:$0x3FB7] =	sst s10  }
0x32: {  	s10 =	sld [smem:$0x3FB5];
	_ =	sdelay $0x3  }
0x33: {  	p0 =	seq.s32 s10, $0x1;
	s10 =	sld [smem:$0x3FB7];
	_ =	sdelay $0x3  }
0x34: {  	[smem:$0x3FB7] =	sst s10  }
0x35: {  	s10 =	sld [smem:$0x3FB6];
	_ =	sdelay $0x3  }
0x36: {  	p1 =	seq.s32 s10, $0x1;
	s10 =	sld [smem:$0x3FB7];
	_ =	sdelay $0x3  }
0x37: {  	[smem:$0x3FB7] =	sst s10  }
0x38: {  	s10 =	sld [smem:$0x3FB8]  }
0x39: {  	_ = 	snop;
	(pc) =	sbr.ind lr, $3  }
0x3a: {  	_ = 	snop  }
0x3b: {  	_ = 	snop  }
0x3c: {  	p2 =	seq.s32 s10, $0x1;
	s10 =	sld [smem:$0x3FB7]  }
0x3d: {  	_ =	shalt  }
0x3e: {  	_ =	shalt  }
0x3f: {  	_ =	shalt  }
0x40: {  	_ =	shalt  }
0x41: {  	_ =	shalt  }
0x42: {  	_ =	shalt  }
0x43: {  	_ =	shalt  }
0x44: {  	_ =	shalt  }
0x45: {  	_ =	shalt  }
0x46: {  	_ =	shalt  }
0x47: {  	_ =	shalt  }
0x48: {  	_ =	shalt  }
0x49: {  	_ =	shalt  }
0x4a: {  	_ =	shalt  }
0x4b: {  	_ =	shalt  }
0x4c: {  	_ =	shalt  }
0x4d: {  	_ =	shalt  }
0x4e: {  	_ =	shalt  }
0x4f: {  	_ =	shalt  }
0x50: {  	_ =	shalt  }
0x51: {  	_ =	shalt  }
0x52: {  	_ =	shalt  }
0x53: {  	_ =	shalt  }
0x54: {  	_ =	shalt  }
0x55: {  	_ =	shalt  }
0x56: {  	_ =	shalt  }
0x57: {  	_ =	shalt  }
0x58: {  	_ =	shalt  }
0x59: {  	_ =	shalt  }
0x5a: {  	_ =	shalt  }
0x5b: {  	_ =	shalt  }
0x5c: {  	_ =	shalt  }
0x5d: {  	_ =	shalt  }
0x5e: {  	_ =	shalt  }
0x5f: {  	_ =	shalt  }
0x60: {  	_ =	shalt  }
0x61: {  	_ =	shalt  }
0x62: {  	_ =	shalt  }
0x63: {  	_ =	shalt  }
0x64: {  	_ =	shalt  }
0x65: {  	_ =	shalt  }
0x66: {  	_ =	shalt  }
0x67: {  	_ =	shalt  }
0x68: {  	_ =	shalt  }
0x69: {  	_ =	shalt  }
0x6a: {  	_ =	shalt  }
0x6b: {  	_ =	shalt  }
0x6c: {  	_ =	shalt  }
0x6d: {  	_ =	shalt  }
0x6e: {  	_ =	shalt  }
0x6f: {  	_ =	shalt  }
0x70: {  	_ =	shalt  }
0x71: {  	_ =	shalt  }
0x72: {  	_ =	shalt  }
0x73: {  	_ =	shalt  }
0x74: {  	_ =	shalt  }
0x75: {  	_ =	shalt  }
0x76: {  	_ =	shalt  }
0x77: {  	_ =	shalt  }
0x78: {  	_ =	shalt  }
0x79: {  	_ =	shalt  }
0x7a: {  	_ =	shalt  }
0x7b: {  	_ =	shalt  }
0x7c: {  	_ =	shalt  }
0x7d: {  	_ =	shalt  }
0x7e: {  	_ =	shalt  }
0x7f: {  	_ =	shalt  }
0x80: {  	_ =	shalt  }
0x81: {  	_ =	shalt  }
0x82: {  	_ =	shalt  }
0x83: {  	_ =	shalt  }
0x84: {  	_ =	shalt  }
0x85: {  	_ =	shalt  }
0x86: {  	_ =	shalt  }
0x87: {  	_ =	shalt  }
.Lfunc_end0:
.L_simem_size_0:
called_computation_lowered:
.L_overlay_start_0:
0x88: {  	s2 =	sld [smem:$0x3FD9]  }
0x89: {  	s3 =	sld [smem:$0x3FFE];
	_ =	sdelay $0x1  }
0x8a: {  	s1 =	srdreg.scid  }
0x8b: {  	s0 =	sand.u32 $0x1, s1  }
0x8c: {  	s17 =	sshll.u32 s0, $0xA;
	s2 =	sadd.s32 s3, s2  }
0x8d: {  	s2 =	sadd.s32 s2, s17  }
0x8e: {  	[smem:$0x3FC3] =	sst s2  }
0x8f: {  	_ = 	snop  }
0x90: {  	s2 =	sld [smem:$0x3FD0];
	(tm) =	ssettm $0x1  }
0x91: {  	s18 =	sld [smem:$0x3FFB];
	_ =	sdelay $0x3  }
0x92: {  	_ =	strace s18  }
0x93: {  	s3 =	sld [smem:$0x3FFC];
	_ =	sdelay $0x3  }
0x94: {  	_ =	strace s3  }
0x95: {  	s3 =	sld [smem:$0x3FFD];
	_ =	sdelay $0x3  }
0x96: {  	_ =	strace s3  }
0x97: {  	_ =	strace $0x8FFFFFFF  }
0x98: {  	s19 =	sld [smem:$0x3FDB];
	_ =	sdelay $0x1  }
0x99: {  	s4 =	simm.s32 $_scs_section_size  }
0x9a: {  	s5 =	simm.s32 $_size__tile_overlayer_lowered;
	s6 =	simm.s32 $_tile_overlayer_lowered  }
0x9b: {  	s22 =	simm.s32 $0x1BFF;
	s21 =	sshll.u32 s6, $0x1;
	s3 =	sadd.s32 s4, s19  }
0x9c: {  	s7 =	simm.s32 $0x0;
	s20 =	sshll.u32 s5, $0x1;
	s5 =	sadd.s32 s21, s3  }
0x9d: {  	[timem:s7], [sflag:s22] =	dma.local [hbm:s5], s20  }
0x9e: {  	_ =	swait.ge [sflag:s22], s20  }
0x9f: {  	s4 =	ssub.s32 $0x0, s20;
	[sflag:s22] =	ssyncset.done $0x0  }
0xa0: {  	[sflag:s22] =	ssyncadd.s32 s4;
	_ =	sdelay $0x1  }
0xa1: {  	s23 =	simm.s32 $0x1B8B  }
0xa2: {  	_ =	swait.ge [sflag:s23], $0x1  }
0xa3: {  	[sflag:s23] =	ssyncset.done $0x0  }
0xa4: {  	s25 =	simm.s32 $0x1B8E;
	s24 =	sld [smem:$0x3FFE];
	[sflag:s23] =	ssyncadd.s32 $0xFFFFFFFF  }
0xa5: {  	s26 =	simm.s32 $execute0_lowered;
	[smem:$0x3FD2] =	sst s25  }
0xa6: {  	s5 =	sshll.u32 s26, $0x1;
	_ =	strace $0x80000046;
	[dreg:$0x1] =	wrdreg $0xFFFFFFFF  }
0xa7: {  	s28 =	simm.s32 $_size_execute0_lowered;
	s3 =	sadd.s32 s3, s5;
	[dreg:$0x0] =	wrdreg $0x0  }
0xa8: {  	s5 =	sshll.u32 s28, $0x1;
	[dreg:$0x2] =	wrdreg s3  }
0xa9: {  	[dreg:$0x3] =	wrdreg s5  }
0xaa: {  	[dreg:$0x4] =	wrdreg $0xC0  }
0xab: {  	_ =	task [dreg:s7], $0x5FFFF  }
0xac: {  	[dreg:$0x1] =	wrdreg $0xFFFFFFFF  }
0xad: {  	[dreg:$0x0] =	wrdreg $0x60  }
0xae: {  	[dreg:$0x2] =	wrdreg s2  }
0xaf: {  	[dreg:$0x3] =	wrdreg s24  }
0xb0: {  	[dreg:$0x4] =	wrdreg $0xB1C00  }
0xb1: {  	[dreg:$0x5] =	wrdreg $0x1EA800  }
0xb2: {  	[dreg:$0x6] =	wrdreg $0x9  }
0xb3: {  	_ =	task.clear_ibuf [dreg:s7], $0x7FFFF;
	_ =	strace $0x90000046  }
0xb4: {  	s29 =	simm.s32 $0x9;
	_ =	strace $0x80000048  }
0xb5: {  	_ =	swait.ge [sflag:s29], $0x1  }
0xb6: {  	[sflag:s29] =	ssyncadd.s32 $0xFFFFFFFF  }
0xb7: {  	_ =	strace $0x90000048  }
0xb8: {  	_ =	sfence  }
0xb9: {  	s30 =	sld [smem:$0x0];
	_ =	sdelay $0x2  }
0xba: {  	s31 =	sshll.u32 s1, $0xD;
	s1 =	sshrl.u32 s1, $0x2  }
0xbb: {  	s3 =	sand.u32 $0x4000, s31;
	s1 =	sadd.s32 s1, s30  }
0xbc: {  	s0 =	sor.u32 s3, s0;
	s1 =	sshll.u32 s1, $0x11  }
0xbd: {  	s0 =	sor.u32 s1, s0  }
0xbe: {  	s0 =	sadd.s32 $0x8F2B, s0  }
0xbf: {  	[sflag:s0] =	ssyncadd.remote.s32 $0x1  }
0xc0: {  	_ =	sfence.sel $0xFFFF  }
0xc1: {  	[dreg:$0x0] =	wrdreg $0xFFFFFFFF;
	(pc) =	sbr.abs _section_cstart, $3  }
0xc2: {  	[dreg:$0x1] =	wrdreg $0xFFFFFFFF  }
0xc3: {  	_ =	task.clear_ibuf [dreg:s7], $0x2FFFF;
	_ =	strace $0x9FFFFFFF  }
0xc4: {  	(tm) =	ssettm $0x7FFFFFFF  }
0xc5: {  	_ =	shalt  }
tec
execute0_lowered:
.L_overlay_start_1:
0x0: {  	(tag) =	ssettag $0x1  }
0x1: {  	s0 =	rddreg [dreg:$0x0]  }
0x2: {  	s6 =	rddreg [dreg:$0x1]  }
0x3: {  	s1 =	rddreg [dreg:$0x2]  }
0x4: {  	s2 =	rddreg [dreg:$0x3];
	s3 =	stileid.u32  }
0x5: {  	s4 =	simm.s32 $0x0;
	s5 =	srdreg.scid;
	s14 =	simm.s32 $0xAEC0  }
0x6: {  	s28 =	simm.s32 $0x0;
	s7 =	smul.u32 $0x4EC, s3;
	[smem:$0x7FF] =	sst s4  }
0x7: {  	s5 =	sand.u32 $0x1, s5;
	s9 =	sadd.s32 $0xB800, s6;
	s20 =	smul.u32 $0x28, s3  }
0x8: {  	s19 =	sadd.s32 $0xB400, s6;
	s10 =	sadd.s32 $0xB600, s6;
	s12 =	smul.u32 $0x5000, s3  }
0x9: {  	s24 =	smul.u32 $0x500, s3;
	_ =	strace $0x80000047;
	[dreg:$0x5] =	wrdreg s9  }
0xa: {  	s25 =	sadd.s32 $0x138800, s1;
	s26 =	smul.u32 $0x280, s3;
	[dreg:$0x6] =	wrdreg s19  }
0xb: {  	s13 =	sadd.s32 $0x13880, s2;
	p0 =	sne.s32 s3, $0x0;
	[dreg:$0x7] =	wrdreg s10  }
0xc: {  	s8 =	smul.u32 $0x27100, s5;
	s11 =	ssub.s32 $0x2, s5;
	[dreg:$0xa] =	wrdreg s25  }
0xd: {  	[dreg:$0xb] =	wrdreg s13;
	s19 =	simm.s32 $0x6;
	p1 =	sne.s32 s5, $0x0  }
0xe: {  	s7 =	sadd.s32 s7, s6;
	s22 =	sshrl.u32 s11, $0x1;
	s30 =	sshrl.u32 s12, $0x2  }
0xf: {  	s31 =	sshrl.u32 s24, $0x2;
	s12 =	simm.s32 $0x2760;
	s24 =	simm.s32 $0x1  }
0x10: {  	s21 =	sadd.s32 s8, s6;
	s6 =	sadd.s32 s20, s6;
	s9 =	ssub.s32 s11, s22  }
0x11: {  	s23 =	sadd.s32 $0x6400, s7;
	s7 =	sadd.s32 $0x1400, s7;
	s13 =	sadd.s32 s0, s8  }
0x12: {  	s15 =	sadd.s32 s30, s1;
	s16 =	sadd.s32 s31, s2;
	[dreg:$0x8] =	wrdreg s23  }
0x13: {  	[dreg:$0x9] =	wrdreg s7;
	s29 =	smax.u32 s9, $0x1;
	s7 =	sadd.s32 s26, s21  }
0x14: {  	s18 =	sadd.s32 $0xBC00, s6;
	s21 =	simm.s32 $0x4EC0;
	s23 =	simm.s32 $0x60  }
0x15: {  	s26 =	simm.s32 $0x3;
	[dreg:$0xc] =	wrdreg s29;
	s17 =	sadd.s32 $0xE400, s7  }
.LBB2_1:
0x16: {  	s0 =	rddreg [dreg:$0x8]  }
0x17: {  	[tilespmem:s4], [sflag:$0x6] =	stream.linear.gather [hbm4b:s0+s4], $0x2760, $0x38;
	[tilespmem:$0x1FE10] =	vst v63  }
0x18: {  	_ =	swait.ge [sflag:s19], $0x2760  }
0x19: {  	[sflag:s19] =	ssyncset.done $0x0  }
0x1a: {  	s22 =	rddreg [dreg:$0x9];
	[sflag:s19] =	ssyncadd.s32 $0xFFFFD8A0  }
0x1b: {  	[tilespmem:s12], [sflag:$0x6] =	stream.linear.gather [hbm4b:s22+s4], $0x2760, $0x38;
	[tilespmem:$0x1FE10] =	vst v63  }
0x1c: {  	_ =	swait.ge [sflag:s19], $0x2760  }
0x1d: {  	[sflag:s19] =	ssyncset.done $0x0  }
0x1e: {  	s25 =	rddreg [dreg:$0x5];
	[sflag:s19] =	ssyncadd.s32 $0xFFFFD8A0  }
0x1f: {  	[tilespmem:s21], [sflag:$0x6] =	stream.linear.gather [hbm4b:s25+s4], $0x1400, $0x38;
	[tilespmem:$0x1FE10] =	vst v63  }
0x20: {  	_ =	swait.ge [sflag:s19], $0x1400  }
0x21: {  	[sflag:s19] =	ssyncset.done $0x0  }
0x22: {  	s30 =	sadd.s32 $0x0, s3;
	s29 =	rddreg [dreg:$0x6];
	[sflag:s19] =	ssyncadd.s32 $0xFFFFEC00  }
0x23: {  	[tilespmem:s14], [sflag:$0x6] =	stream.linear.gather [hbm4b:s29+s4], $0x140, $0x38;
	[tilespmem:$0x1FE10] =	vst v63  }
0x24: {  	p2 =	sgt.u32 s30, $0xF9;
	_ =	swait.ge [sflag:s19], $0x140  }
0x25: {  	s0 =	simm.s32 @!p2 $0x4EC0;
	[sflag:s19] =	ssyncset.done $0x0  }
0x26: {  	s7 =	simm.s32 @!p2 $0x7;
	p2 =	por p2, p2;
	[sflag:s19] =	ssyncadd.s32 $0xFFFFFEC0  }
0x27: {  	[spmem:s15] =	stream.linear.scatter @!p2 [tilespmem:s0], [sflag:$0x7], $0x1400, $0x38;
	[tilespmem:$0x1FE10] =	vst v63  }
0x28: {  	_ =	swait.ge @!p2 [sflag:s7], $0x1400  }
0x29: {  	s31 =	sadd.s32 $0x10, s3;
	[sflag:s7] =	ssyncset.done @!p2 $0x0  }
0x2a: {  	s8 =	simm.s32 @!p2 $0x6;
	s0 =	simm.s32 @!p2 $0xAEC0;
	[sflag:s7] =	ssyncadd.s32 @!p2 $0xFFFFEC00  }
0x2b: {  	[spmem:s16] =	stream.linear.scatter @!p2 [tilespmem:s0], [sflag:$0x6], $0x140, $0x38;
	[tilespmem:$0x1FE10] =	vst v63  }
0x2c: {  	s6 =	simm.s32 $0x20;
	p3 =	sgt.u32 s31, $0xF9;
	_ =	swait.ge @!p2 [sflag:s8], $0x140  }
0x2d: {  	s7 =	sadd.s32 $0x14000, s15;
	s0 =	sadd.s32 $0x1400, s16;
	[sflag:s8] =	ssyncset.done @!p2 $0x0  }
.LBB2_2:
0x2e: {  	s9 =	simm.s32 @!p3 $0x4EC0;
	s10 =	simm.s32 @!p3 $0x7;
	[sflag:s8] =	ssyncadd.s32 @!p2 $0xFFFFFEC0  }
0x2f: {  	s11 =	smov.u32 s6;
	p2 =	por p3, p3;
	s6 =	sadd.s32 $0x10, s6  }
0x30: {  	[spmem:s7] =	stream.linear.scatter @!p2 [tilespmem:s9], [sflag:$0x7], $0x1400, $0x38;
	[tilespmem:$0x1FE10] =	vst v63  }
0x31: {  	p4 =	sne.s32 s6, $0x100;
	_ =	swait.ge @!p2 [sflag:s10], $0x1400  }
.Ltmp0:
0x32: {  	[sflag:s10] =	ssyncset.done @!p2 $0x0;
	(pc) =	sbr.rel @p4 .LBB2_2-.Ltmp0, $4  }
0x33: {  	s9 =	simm.s32 @!p2 $0xAEC0;
	s8 =	simm.s32 @!p2 $0x6;
	[sflag:s10] =	ssyncadd.s32 @!p2 $0xFFFFEC00  }
0x34: {  	[spmem:s0] =	stream.linear.scatter @!p2 [tilespmem:s9], [sflag:$0x6], $0x140, $0x38;
	[tilespmem:$0x1FE10] =	vst v63  }
0x35: {  	s9 =	sadd.s32 s11, s3;
	s0 =	sadd.s32 $0x1400, s0;
	_ =	swait.ge @!p2 [sflag:s8], $0x140  }
0x36: {  	s7 =	sadd.s32 $0x14000, s7;
	p3 =	sgt.u32 s9, $0xF9;
	[sflag:s8] =	ssyncset.done @!p2 $0x0  }
0x37: {  	s6 =	simm.s32 @!p3 $0x4EC0  }
0x38: {  	s9 =	simm.s32 @!p3 $0x7;
	[sflag:s8] =	ssyncadd.s32 @!p2 $0xFFFFFEC0;
	p2 =	por p3, p3  }
0x39: {  	[spmem:s7] =	stream.linear.scatter @!p2 [tilespmem:s6], [sflag:$0x7], $0x1400, $0x38;
	[tilespmem:$0x1FE10] =	vst v63  }
0x3a: {  	_ =	swait.ge @!p2 [sflag:s9], $0x1400  }
0x3b: {  	[sflag:s9] =	ssyncset.done @!p2 $0x0  }
0x3c: {  	s6 =	simm.s32 @!p2 $0xAEC0;
	s7 =	simm.s32 @!p2 $0x6;
	[sflag:s9] =	ssyncadd.s32 @!p2 $0xFFFFEC00  }
0x3d: {  	[spmem:s0] =	stream.linear.scatter @!p2 [tilespmem:s6], [sflag:$0x6], $0x140, $0x38;
	[tilespmem:$0x1FE10] =	vst v63  }
0x3e: {  	_ =	swait.ge @!p2 [sflag:s7], $0x140  }
0x3f: {  	[sflag:s7] =	ssyncset.done @!p2 $0x0  }
0x40: {  	s0 =	simm.s32 @!p0 $0x4EC0;
	s6 =	rddreg [dreg:$0xa];
	[sflag:s7] =	ssyncadd.s32 @!p2 $0xFFFFFEC0  }
0x41: {  	[spmem:s6] =	stream.linear.scatter @!p0 [tilespmem:s0], [sflag:$0x6], $0x400, $0x38;
	[tilespmem:$0x1FE10] =	vst v63  }
0x42: {  	s0 =	simm.s32 @!p0 $0x6  }
0x43: {  	_ =	swait.ge @!p0 [sflag:s0], $0x400  }
0x44: {  	[sflag:s0] =	ssyncset.done @!p0 $0x0  }
0x45: {  	s6 =	simm.s32 @!p0 $0xAEC0;
	s7 =	rddreg [dreg:$0xb];
	[sflag:s0] =	ssyncadd.s32 @!p0 $0xFFFFFC00  }
0x46: {  	[spmem:s7] =	stream.linear.scatter @!p0 [tilespmem:s6], [sflag:$0x6], $0x40, $0x38;
	[tilespmem:$0x1FE10] =	vst v63  }
0x47: {  	_ =	swait.ge @!p0 [sflag:s0], $0x40  }
0x48: {  	[sflag:s0] =	ssyncset.done @!p0 $0x0  }
0x49: {  	s25 =	rddreg [dreg:$0x7];
	[sflag:s0] =	ssyncadd.s32 @!p0 $0xFFFFFFC0  }
0x4a: {  	[tilespmem:s14], [sflag:$0x6] =	stream.linear.gather [hbm4b:s25+s4], $0x300, $0x38;
	[tilespmem:$0x1FE10] =	vst v63  }
0x4b: {  	_ =	swait.ge [sflag:s19], $0x300  }
0x4c: {  	[sflag:s19] =	ssyncset.done $0x0  }
0x4d: {  	[sflag:s19] =	ssyncadd.s32 $0xFFFFFD00  }
0x4e: {  	[bflag:$0x0] =	sbarrier.arrive $0xFFFF  }
0x4f: {  	[tilespmem:s21], [sflag:$0x1] =	stream.indirect.gather [hbm4b:s13+s23], $0x80, s12, s23, $0xb8;
	[tilespmem:$0x1FE10] =	vst v63  }
0x50: {  	_ =	swait.ge [sflag:s24], $0x3000  }
0x51: {  	[sflag:s24] =	ssyncset.done $0x0  }
0x52: {  	s29 =	simm.s32 @p1 $0x60;
	[sflag:s24] =	ssyncadd.s32 $0xFFFFD000  }
0x53: {  	[spmem:s1] =	stream.indirect.scatter.add.f32 [tilespmem:s21], [sflag:$0x2], $0x80, s4, s23, $0xb8;
	[tilespmem:$0x1FE10] =	vst v63  }
0x54: {  	s30 =	simm.s32 @p1 $0x7EC0;
	s31 =	simm.s32 @p1 $0x1;
	s0 =	simm.s32 @p1 $0x27C0  }
0x55: {  	[tilespmem:s30], [sflag:$0x1] =	stream.indirect.gather @p1 [hbm4b:s13+s29], $0x80, s0, s29, $0xb8;
	[tilespmem:$0x1FE10] =	vst v63  }
0x56: {  	_ =	swait.ge @p1 [sflag:s31], $0x3000  }
0x57: {  	[sflag:s31] =	ssyncset.done @p1 $0x0  }
0x58: {  	s0 =	simm.s32 @p1 $0x2;
	[sflag:s31] =	ssyncadd.s32 @p1 $0xFFFFD000  }
0x59: {  	[spmem:s1] =	stream.indirect.scatter.add.f32 @p1 [tilespmem:s30], [sflag:$0x3], $0x80, s29, s29, $0xb8;
	[tilespmem:$0x1FE10] =	vst v63  }
0x5a: {  	_ =	swait.ge @p1 [sflag:s0], $0x3000  }
0x5b: {  	s7 =	simm.s32 @!p1 $0x0;
	[sflag:s0] =	ssyncset.done @p1 $0x0  }
0x5c: {  	s6 =	simm.s32 @!p1 $0xAEC0;
	s25 =	simm.s32 @!p1 $0x60;
	[sflag:s0] =	ssyncadd.s32 @p1 $0xFFFFD000  }
0x5d: {  	[spmem:s2] =	stream.indirect.scatter.add.f32 @!p1 [tilespmem:s6], [sflag:$0x4], $0x8, s7, s25, $0xb8;
	[tilespmem:$0x1FE10] =	vst v63  }
0x5e: {  	s8 =	simm.s32 @!p1 $0x27C0;
	s7 =	simm.s32 @!p1 $0x7EC0  }
0x5f: {  	[tilespmem:s7], [sflag:$0x1] =	stream.indirect.gather @!p1 [hbm4b:s13+s25], $0x80, s8, s25, $0xb8;
	[tilespmem:$0x1FE10] =	vst v63  }
0x60: {  	s8 =	simm.s32 @!p1 $0x1  }
0x61: {  	_ =	swait.ge @!p1 [sflag:s8], $0x3000  }
0x62: {  	[sflag:s8] =	ssyncset.done @!p1 $0x0  }
0x63: {  	[sflag:s8] =	ssyncadd.s32 @!p1 $0xFFFFD000  }
0x64: {  	[spmem:s1] =	stream.indirect.scatter.add.f32 @!p1 [tilespmem:s7], [sflag:$0x3], $0x80, s25, s25, $0xb8;
	[tilespmem:$0x1FE10] =	vst v63  }
0x65: {  	s9 =	simm.s32 @!p1 $0x2  }
0x66: {  	[spmem:s2] =	stream.indirect.scatter.add.f32 @!p1 [tilespmem:s6], [sflag:$0x5], $0x8, s25, s25, $0xb8;
	[tilespmem:$0x1FE10] =	vst v63  }
0x67: {  	_ =	swait.ge @!p1 [sflag:s9], $0x3000  }
0x68: {  	[sflag:s9] =	ssyncset.done @!p1 $0x0  }
0x69: {  	s10 =	simm.s32 @!p1 $0x4;
	[sflag:s9] =	ssyncadd.s32 @!p1 $0xFFFFD000  }
0x6a: {  	_ =	swait.ge @!p1 [sflag:s10], $0x300  }
0x6b: {  	[sflag:s10] =	ssyncset.done @!p1 $0x0  }
0x6c: {  	s11 =	simm.s32 $0x2820;
	[sflag:s10] =	ssyncadd.s32 @!p1 $0xFFFFFD00  }
0x6d: {  	[tilespmem:s21], [sflag:$0x1] =	stream.indirect.gather [hbm4b:s13+s23], $0x80, s11, s23, $0xb8;
	[tilespmem:$0x1FE10] =	vst v63  }
0x6e: {  	s11 =	simm.s32 $0xFFFF6A00  }
.LBB2_4:
0x6f: {  	_ =	swait.ge [sflag:s24], $0x3000  }
0x70: {  	s12 =	sshra.s32 s11, $0x2;
	[sflag:s24] =	ssyncset.done $0x0  }
0x71: {  	s20 =	simm.s32 @p1 $0x3;
	s14 =	sadd.s32 $0x2640, s12;
	[sflag:s24] =	ssyncadd.s32 $0xFFFFD000  }
0x72: {  	[spmem:s1] =	stream.indirect.scatter.add.f32 [tilespmem:s21], [sflag:$0x2], $0x80, s14, s23, $0xb8;
	[tilespmem:$0x1FE10] =	vst v63  }
0x73: {  	_ =	swait.ge @p1 [sflag:s20], $0x3000  }
0x74: {  	s22 =	sshra.s32 @p1 s11, $0x2;
	[sflag:s20] =	ssyncset.done @p1 $0x0  }
0x75: {  	[sflag:s20] =	ssyncadd.s32 @p1 $0xFFFFD000;
	s20 =	sadd.s32 @p1 $0x4E00, s22  }
0x76: {  	[tilespmem:s30], [sflag:$0x1] =	stream.indirect.gather @p1 [hbm4b:s13+s29], $0x80, s20, s29, $0xb8;
	[tilespmem:$0x1FE10] =	vst v63  }
0x77: {  	_ =	swait.ge @p1 [sflag:s31], $0x3000  }
0x78: {  	[sflag:s31] =	ssyncset.done @p1 $0x0  }
0x79: {  	s20 =	sadd.s32 @p1 $0x26A0, s22;
	[sflag:s31] =	ssyncadd.s32 @p1 $0xFFFFD000  }
0x7a: {  	[spmem:s1] =	stream.indirect.scatter.add.f32 @p1 [tilespmem:s30], [sflag:$0x3], $0x80, s20, s29, $0xb8;
	[tilespmem:$0x1FE10] =	vst v63  }
0x7b: {  	_ =	swait.ge @p1 [sflag:s0], $0x3000  }
0x7c: {  	[sflag:s0] =	ssyncset.done @p1 $0x0  }
0x7d: {  	[sflag:s0] =	ssyncadd.s32 @p1 $0xFFFFD000  }
0x7e: {  	[spmem:s2] =	stream.indirect.scatter.add.f32 @!p1 [tilespmem:s6], [sflag:$0x4], $0x8, s14, s25, $0xb8;
	[tilespmem:$0x1FE10] =	vst v63  }
0x7f: {  	s14 =	simm.s32 @!p1 $0x3  }
0x80: {  	_ =	swait.ge @!p1 [sflag:s14], $0x3000  }
0x81: {  	[sflag:s14] =	ssyncset.done @!p1 $0x0  }
0x82: {  	[sflag:s14] =	ssyncadd.s32 @!p1 $0xFFFFD000;
	s14 =	simm.s32 @!p1 $0x5  }
0x83: {  	_ =	swait.ge @!p1 [sflag:s14], $0x300  }
0x84: {  	s20 =	sshra.s32 @!p1 s11, $0x2;
	[sflag:s14] =	ssyncset.done @!p1 $0x0  }
0x85: {  	s22 =	sadd.s32 @!p1 $0x4E00, s20;
	[sflag:s14] =	ssyncadd.s32 @!p1 $0xFFFFFD00  }
0x86: {  	[tilespmem:s7], [sflag:$0x1] =	stream.indirect.gather @!p1 [hbm4b:s13+s25], $0x80, s22, s25, $0xb8;
	[tilespmem:$0x1FE10] =	vst v63  }
0x87: {  	_ =	swait.ge @!p1 [sflag:s8], $0x3000  }
0x88: {  	[sflag:s8] =	ssyncset.done @!p1 $0x0  }
0x89: {  	s20 =	sadd.s32 @!p1 $0x26A0, s20;
	[sflag:s8] =	ssyncadd.s32 @!p1 $0xFFFFD000  }
0x8a: {  	[spmem:s1] =	stream.indirect.scatter.add.f32 @!p1 [tilespmem:s7], [sflag:$0x3], $0x80, s20, s25, $0xb8;
	[tilespmem:$0x1FE10] =	vst v63  }
0x8b: {  	_ = 	snop  }
0x8c: {  	[spmem:s2] =	stream.indirect.scatter.add.f32 @!p1 [tilespmem:s6], [sflag:$0x5], $0x8, s20, s25, $0xb8;
	[tilespmem:$0x1FE10] =	vst v63  }
0x8d: {  	p2 =	seq.s32 s11, $0x0;
	_ =	swait.ge @!p1 [sflag:s9], $0x3000  }
.Ltmp1:
0x8e: {  	[sflag:s9] =	ssyncset.done @!p1 $0x0;
	(pc) =	sbr.rel @p2 .LBB2_6-.Ltmp1, $4  }
0x8f: {  	[sflag:s9] =	ssyncadd.s32 @!p1 $0xFFFFD000  }
0x90: {  	_ =	swait.ge @!p1 [sflag:s10], $0x300  }
0x91: {  	[sflag:s10] =	ssyncset.done @!p1 $0x0  }
0x92: {  	[sflag:s10] =	ssyncadd.s32 @!p1 $0xFFFFFD00  }
.Ltmp2:
0x93: {  	(pc) =	sbr.rel .LBB2_4-.Ltmp2, $3  }
0x94: {  	_ =	sdelay $0x1  }
0x95: {  	s12 =	sadd.s32 $0x4E60, s12;
	s11 =	sadd.s32 $0x300, s11  }
0x96: {  	[tilespmem:s21], [sflag:$0x1] =	stream.indirect.gather [hbm4b:s13+s23], $0x80, s12, s23, $0xb8;
	[tilespmem:$0x1FE10] =	vst v63  }
.LBB2_6:
0x97: {  	_ =	swait.ge [sflag:s26], $0x3000  }
0x98: {  	s0 =	simm.s32 @p1 $0x60;
	[sflag:s26] =	ssyncset.done $0x0  }
0x99: {  	s6 =	simm.s32 @p1 $0x4E60;
	s7 =	simm.s32 @p1 $0x4EC0;
	[sflag:s26] =	ssyncadd.s32 $0xFFFFD000  }
0x9a: {  	[tilespmem:s7], [sflag:$0x1] =	stream.indirect.gather @p1 [hbm4b:s13+s0], $0x80, s6, s0, $0xb8;
	[tilespmem:$0x1FE10] =	vst v63  }
0x9b: {  	s6 =	simm.s32 @p1 $0x1  }
0x9c: {  	_ =	swait.ge @p1 [sflag:s6], $0x3000  }
0x9d: {  	[sflag:s6] =	ssyncset.done @p1 $0x0  }
0x9e: {  	[sflag:s6] =	ssyncadd.s32 @p1 $0xFFFFD000;
	s6 =	simm.s32 @p1 $0x2700  }
0x9f: {  	[spmem:s1] =	stream.indirect.scatter.add.f32 @p1 [tilespmem:s7], [sflag:$0x2], $0x80, s6, s0, $0xb8;
	[tilespmem:$0x1FE10] =	vst v63  }
0xa0: {  	s0 =	simm.s32 @p1 $0x2  }
0xa1: {  	_ =	swait.ge @p1 [sflag:s0], $0x3000  }
0xa2: {  	[sflag:s0] =	ssyncset.done @p1 $0x0  }
0xa3: {  	[sflag:s0] =	ssyncadd.s32 @p1 $0xFFFFD000  }
0xa4: {  	_ =	swait.ge @!p1 [sflag:s14], $0x300  }
0xa5: {  	s6 =	simm.s32 @!p1 $0x4E60;
	[sflag:s14] =	ssyncset.done @!p1 $0x0  }
0xa6: {  	s7 =	simm.s32 @!p1 $0x4EC0;
	s0 =	simm.s32 @!p1 $0x60;
	[sflag:s14] =	ssyncadd.s32 @!p1 $0xFFFFFD00  }
0xa7: {  	[tilespmem:s7], [sflag:$0x1] =	stream.indirect.gather @!p1 [hbm4b:s13+s0], $0x80, s6, s0, $0xb8;
	[tilespmem:$0x1FE10] =	vst v63  }
0xa8: {  	s6 =	simm.s32 @!p1 $0x1  }
0xa9: {  	_ =	swait.ge @!p1 [sflag:s6], $0x3000  }
0xaa: {  	[sflag:s6] =	ssyncset.done @!p1 $0x0  }
0xab: {  	[sflag:s6] =	ssyncadd.s32 @!p1 $0xFFFFD000;
	s6 =	simm.s32 @!p1 $0x2700  }
0xac: {  	[spmem:s1] =	stream.indirect.scatter.add.f32 @!p1 [tilespmem:s7], [sflag:$0x2], $0x80, s6, s0, $0xb8;
	[tilespmem:$0x1FE10] =	vst v63  }
0xad: {  	s7 =	simm.s32 @!p1 $0x2  }
0xae: {  	_ =	swait.ge @!p1 [sflag:s7], $0x3000  }
0xaf: {  	[sflag:s7] =	ssyncset.done @!p1 $0x0  }
0xb0: {  	[sflag:s7] =	ssyncadd.s32 @!p1 $0xFFFFD000;
	s7 =	simm.s32 @!p1 $0xAEC0  }
0xb1: {  	[spmem:s2] =	stream.indirect.scatter.add.f32 @!p1 [tilespmem:s7], [sflag:$0x4], $0x8, s6, s0, $0xb8;
	[tilespmem:$0x1FE10] =	vst v63  }
0xb2: {  	s0 =	simm.s32 @!p1 $0x4  }
0xb3: {  	_ =	swait.ge @!p1 [sflag:s0], $0x300  }
0xb4: {  	s25 =	sadd.s32 $0x0, s3;
	[sflag:s0] =	ssyncset.done @!p1 $0x0  }
0xb5: {  	p3 =	sgt.u32 s25, $0xF9;
	[sflag:s0] =	ssyncadd.s32 @!p1 $0xFFFFFD00  }
0xb6: {  	s6 =	simm.s32 @!p3 $0x7;
	s0 =	simm.s32 @!p3 $0x4EC0;
	[bflag:$0x0] =	sbarrier.arrive $0xFFFF  }
0xb7: {  	[tilespmem:s0], [sflag:$0x7] =	stream.linear.gather @!p3 [spmem:s15], $0x1400, $0x38;
	[tilespmem:$0x1FE10] =	vst v63  }
0xb8: {  	_ =	swait.ge @!p3 [sflag:s6], $0x1400  }
0xb9: {  	[sflag:s6] =	ssyncset.done @!p3 $0x0  }
0xba: {  	s7 =	simm.s32 @!p3 $0x0;
	[sflag:s6] =	ssyncadd.s32 @!p3 $0xFFFFEC00  }
0xbb: {  	[hbm4b:s17+s7] =	stream.linear.scatter @!p3 [tilespmem:s0], [sflag:$0x7], $0x1400, $0x38;
	[tilespmem:$0x1FE10] =	vst v63  }
0xbc: {  	p2 =	sne.s32 @!p3 s5, $0x0;
	_ =	swait.ge @!p3 [sflag:s6], $0x1400  }
0xbd: {  	p2 =	por p2, p3;
	[sflag:s6] =	ssyncset.done @!p3 $0x0  }
0xbe: {  	s7 =	simm.s32 @!p2 $0x7;
	[sflag:s6] =	ssyncadd.s32 @!p3 $0xFFFFEC00;
	s6 =	simm.s32 @!p2 $0xAEC0  }
0xbf: {  	[tilespmem:s6], [sflag:$0x7] =	stream.linear.gather @!p2 [spmem:s16], $0x140, $0x38;
	[tilespmem:$0x1FE10] =	vst v63  }
0xc0: {  	s30 =	sadd.s32 $0x1400, s16;
	_ =	swait.ge @!p2 [sflag:s7], $0x140  }
0xc1: {  	s29 =	sadd.s32 $0x280, s18;
	s31 =	sadd.s32 $0x10, s3;
	[sflag:s7] =	ssyncset.done @!p2 $0x0  }
0xc2: {  	s8 =	simm.s32 @!p2 $0x6;
	[sflag:s7] =	ssyncadd.s32 @!p2 $0xFFFFFEC0;
	s7 =	simm.s32 @!p2 $0x0  }
0xc3: {  	[hbm4b:s18+s7] =	stream.linear.scatter @!p2 [tilespmem:s6], [sflag:$0x6], $0x140, $0x38;
	[tilespmem:$0x1FE10] =	vst v63  }
0xc4: {  	s0 =	simm.s32 $0x20;
	p3 =	sgt.u32 s31, $0xF9;
	_ =	swait.ge @!p2 [sflag:s8], $0x140  }
0xc5: {  	s6 =	sadd.s32 $0x2800, s17;
	s7 =	sadd.s32 $0x14000, s15;
	[sflag:s8] =	ssyncset.done @!p2 $0x0  }
.LBB2_7:
0xc6: {  	s9 =	simm.s32 @!p3 $0x4EC0;
	s10 =	simm.s32 @!p3 $0x7;
	[sflag:s8] =	ssyncadd.s32 @!p2 $0xFFFFFEC0  }
0xc7: {  	[tilespmem:s9], [sflag:$0x7] =	stream.linear.gather @!p3 [spmem:s7], $0x1400, $0x38;
	[tilespmem:$0x1FE10] =	vst v63  }
0xc8: {  	s11 =	smov.u32 s0;
	s0 =	sadd.s32 $0x10, s0;
	_ =	swait.ge @!p3 [sflag:s10], $0x1400  }
0xc9: {  	s12 =	smov.u32 s29;
	p4 =	sne.s32 s0, $0x100;
	[sflag:s10] =	ssyncset.done @!p3 $0x0  }
0xca: {  	s8 =	simm.s32 @!p3 $0x0;
	[sflag:s10] =	ssyncadd.s32 @!p3 $0xFFFFEC00  }
0xcb: {  	[hbm4b:s6+s8] =	stream.linear.scatter @!p3 [tilespmem:s9], [sflag:$0x7], $0x1400, $0x38;
	[tilespmem:$0x1FE10] =	vst v63  }
0xcc: {  	p2 =	sne.s32 @!p3 s5, $0x0;
	_ =	swait.ge @!p3 [sflag:s10], $0x1400  }
0xcd: {  	p2 =	por p2, p3;
	[sflag:s10] =	ssyncset.done @!p3 $0x0  }
0xce: {  	s9 =	simm.s32 @!p2 $0xAEC0;
	s8 =	simm.s32 @!p2 $0x7;
	[sflag:s10] =	ssyncadd.s32 @!p3 $0xFFFFEC00  }
0xcf: {  	[tilespmem:s9], [sflag:$0x7] =	stream.linear.gather @!p2 [spmem:s30], $0x140, $0x38;
	[tilespmem:$0x1FE10] =	vst v63  }
0xd0: {  	s30 =	sadd.s32 $0x1400, s30;
	_ =	swait.ge @!p2 [sflag:s8], $0x140  }
.Ltmp3:
0xd1: {  	s29 =	sadd.s32 $0x280, s29;
	[sflag:s8] =	ssyncset.done @!p2 $0x0;
	(pc) =	sbr.rel @p4 .LBB2_7-.Ltmp3, $4  }
0xd2: {  	s10 =	simm.s32 @!p2 $0x0;
	[sflag:s8] =	ssyncadd.s32 @!p2 $0xFFFFFEC0;
	s8 =	simm.s32 @!p2 $0x6  }
0xd3: {  	[hbm4b:s12+s10] =	stream.linear.scatter @!p2 [tilespmem:s9], [sflag:$0x6], $0x140, $0x38;
	[tilespmem:$0x1FE10] =	vst v63  }
0xd4: {  	s6 =	sadd.s32 $0x2800, s6;
	s9 =	sadd.s32 s11, s3;
	_ =	swait.ge @!p2 [sflag:s8], $0x140  }
0xd5: {  	s7 =	sadd.s32 $0x14000, s7;
	p3 =	sgt.u32 s9, $0xF9;
	[sflag:s8] =	ssyncset.done @!p2 $0x0  }
0xd6: {  	s0 =	simm.s32 @!p3 $0x4EC0;
	s9 =	simm.s32 @!p3 $0x7;
	[sflag:s8] =	ssyncadd.s32 @!p2 $0xFFFFFEC0  }
0xd7: {  	[tilespmem:s0], [sflag:$0x7] =	stream.linear.gather @!p3 [spmem:s7], $0x1400, $0x38;
	[tilespmem:$0x1FE10] =	vst v63  }
0xd8: {  	_ =	swait.ge @!p3 [sflag:s9], $0x1400  }
0xd9: {  	[sflag:s9] =	ssyncset.done @!p3 $0x0  }
0xda: {  	s7 =	simm.s32 @!p3 $0x0;
	[sflag:s9] =	ssyncadd.s32 @!p3 $0xFFFFEC00  }
0xdb: {  	[hbm4b:s6+s7] =	stream.linear.scatter @!p3 [tilespmem:s0], [sflag:$0x7], $0x1400, $0x38;
	[tilespmem:$0x1FE10] =	vst v63  }
0xdc: {  	p2 =	sne.s32 @!p3 s5, $0x0;
	_ =	swait.ge @!p3 [sflag:s9], $0x1400  }
0xdd: {  	p2 =	por p2, p3;
	[sflag:s9] =	ssyncset.done @!p3 $0x0  }
0xde: {  	s0 =	simm.s32 @!p2 $0xAEC0;
	s6 =	simm.s32 @!p2 $0x7;
	[sflag:s9] =	ssyncadd.s32 @!p3 $0xFFFFEC00  }
0xdf: {  	[tilespmem:s0], [sflag:$0x7] =	stream.linear.gather @!p2 [spmem:s30], $0x140, $0x38;
	[tilespmem:$0x1FE10] =	vst v63  }
0xe0: {  	_ =	swait.ge @!p2 [sflag:s6], $0x140  }
0xe1: {  	[sflag:s6] =	ssyncset.done @!p2 $0x0  }
0xe2: {  	s7 =	simm.s32 @!p2 $0x6;
	[sflag:s6] =	ssyncadd.s32 @!p2 $0xFFFFFEC0;
	s6 =	simm.s32 @!p2 $0x0  }
0xe3: {  	[hbm4b:s29+s6] =	stream.linear.scatter @!p2 [tilespmem:s0], [sflag:$0x6], $0x140, $0x38;
	[tilespmem:$0x1FE10] =	vst v63  }
0xe4: {  	_ =	swait.ge @!p2 [sflag:s7], $0x140  }
0xe5: {  	s28 =	sadd.s32 $0x1, s28;
	s31 =	rddreg [dreg:$0xc]  }
0xe6: {  	p3 =	sne.s32 s28, s31  }
.Ltmp4:
0xe7: {  	_ = 	snop;
	(pc) =	sbr.rel @p3 .LBB2_1-.Ltmp4, $3  }
0xe8: {  	_ =	sdelay $0x1  }
0xe9: {  	[sflag:s7] =	ssyncset.done @!p2 $0x0  }
0xea: {  	s12 =	simm.s32 $0x2760;
	s14 =	simm.s32 $0xAEC0;
	[sflag:s7] =	ssyncadd.s32 @!p2 $0xFFFFFEC0  }
0xeb: {  	_ =	sfence.sel $0x180000  }
0xec: {  	[bflag:$0x0] =	sbarrier.arrive $0xFFFF  }
0xed: {  	_ =	strace $0x90000047  }
0xee: {  	[bflag:$0x2] =	sbarrier.arrive $0xFFFF  }
0xef: {  	s0 =	rddreg [dreg:$0x4]  }
0xf0: {  	s0 =	sadd.s32 @!p0 $0x100000, s0  }
0xf1: {  	[sflag:s0] =	ssyncadd.tile.s32 @!p0 $0x1;
	_ =	shalt  }
.Lfunc_end2:
_tile_overlayer_lowered:
.L_overlay_start_2:
0xf2: {  	(tag) =	ssettag $0x2  }
0xf3: {  	s0 =	rddreg [dreg:$0x0];
	s2 =	stileid.u32  }
0xf4: {  	s1 =	rddreg [dreg:$0x1];
	p0 =	sne.s32 s2, $0x0  }
0xf5: {  	s3 =	rddreg [dreg:$0x2];
	[bflag:$0x3] =	sbarrier.arrive $0xFFFF;
	s2 =	simm.s32 @!p0 $0x1C06  }
0xf6: {  	[timem:s3], [sflag:s2] =	dma.local @!p0 [hbm:s0], s1  }
0xf7: {  	s0 =	simm.s32 @!p0 $0x6  }
0xf8: {  	_ =	swait.ge @!p0 [sflag:s0], s1  }
0xf9: {  	s1 =	ssub.s32 @!p0 $0x0, s1;
	[sflag:s0] =	ssyncset.done @!p0 $0x0  }
0xfa: {  	[sflag:s0] =	ssyncadd.s32 @!p0 s1  }
0xfb: {  	[bflag:$0x3] =	sbarrier.arrive $0xFFFF  }
0xfc: {  	_ =	shalt  }

</sc_bundles>
